<compile_context>
chip_gen: v7x
topology: tpu7x:2x2x1
jax: 0.10.2.dev20260603
libtpu: 0.0.44.dev20260713+nightly
codegen_flags: <defaults>
</compile_context>

<pallas_src>
import jax
import jax.numpy as jnp
from jax import lax
from jax.experimental import pallas as pl
from jax.experimental.pallas import tpu as pltpu
from jax.experimental.pallas import tpu_sc as plsc

N_NODES = 10000
N_EDGES = 320000
N_FEAT = 128
N_CLASSES = 40

NC = 2
NS = 16
NW = NC * NS

EPW = N_EDGES // NW
CH = 100
NCHUNK = EPW // CH
NBUF = 3
STAGE = 10
STAGES = NCHUNK // STAGE
PADR = 632
ACC_ROWS = NS * PADR

MB = 2000
NBLK = N_NODES // MB



def _agg_body(h_hbm, edge_hbm, z_hbm, out_hbm,
              src_v, dst_v, rows_v, acc_sh, gsem, ssem, isem):
    c = lax.axis_index("c")
    s = lax.axis_index("s")
    wid = s * NC + c

    pltpu.sync_copy(z_hbm, rows_v.at[0])
    for k in range(PADR // CH):
        pltpu.sync_copy(rows_v.at[0], acc_sh.at[pl.ds(s * PADR + k * CH, CH)])
    rem = PADR - (PADR // CH) * CH
    if rem:
        pltpu.sync_copy(rows_v.at[0].at[pl.ds(0, rem)],
                        acc_sh.at[pl.ds(s * PADR + (PADR // CH) * CH, rem)])
    plsc.subcore_barrier()

    pltpu.sync_copy(edge_hbm.at[0, wid, 0], src_v.at[0])
    pltpu.sync_copy(edge_hbm.at[1, wid, 0], dst_v.at[0])
    pltpu.async_copy(h_hbm.at[src_v.at[0, 0]], rows_v.at[0], gsem)

    @pl.loop(0, NCHUNK)
    def _chunks(k):
        s_cur = lax.div(k, STAGE)
        bi = lax.rem(s_cur, 2)
        r = k - s_cur * STAGE
        kn = k + 1
        sn = lax.div(kn, STAGE)
        bin_ = lax.rem(sn, 2)
        rn = kn - sn * STAGE
        b = lax.rem(k, NBUF)
        nb = lax.rem(kn, NBUF)

        @pl.when(jnp.logical_and(r == 2, s_cur + 1 < STAGES))
        def _prefetch_idx():
            sp = s_cur + 1
            bp = lax.rem(sp, 2)
            pltpu.async_copy(edge_hbm.at[0, wid, sp], src_v.at[bp], isem)
            pltpu.async_copy(edge_hbm.at[1, wid, sp], dst_v.at[bp], isem)

        @pl.when(k >= NBUF - 1)
        def _drain_oldest():
            pltpu.make_async_copy(rows_v.at[nb], acc_sh.at[dst_v.at[bi, r]],
                                  ssem).wait()

        @pl.when(jnp.logical_and(rn == 0, kn < NCHUNK))
        def _await_idx():
            pltpu.make_async_copy(edge_hbm.at[0, wid, 0], src_v.at[0],
                                  isem).wait()
            pltpu.make_async_copy(edge_hbm.at[1, wid, 0], dst_v.at[0],
                                  isem).wait()

        @pl.when(kn < NCHUNK)
        def _fire_next():
            pltpu.async_copy(h_hbm.at[src_v.at[bin_, rn]], rows_v.at[nb],
                             gsem)

        pltpu.make_async_copy(h_hbm.at[src_v.at[bi, r]], rows_v.at[b],
                              gsem).wait()
        pltpu.async_copy(rows_v.at[b], acc_sh.at[dst_v.at[bi, r]], ssem,
                         add=True)

    for d in range(NBUF - 1):
        pltpu.make_async_copy(rows_v.at[d], acc_sh.at[dst_v.at[0, 0]],
                              ssem).wait()

    plsc.subcore_barrier()

    pltpu.sync_copy(acc_sh.at[pl.ds(s * PADR, PADR)],
                    out_hbm.at[c, pl.ds(s * PADR, PADR)])


@jax.jit
def _aggregate(h, edges, zeros):
    mesh = plsc.VectorSubcoreMesh(core_axis_name="c", subcore_axis_name="s",
                                  num_cores=NC, num_subcores=NS)
    return pl.kernel(
        _agg_body,
        out_type=jax.ShapeDtypeStruct((NC, ACC_ROWS, N_FEAT), jnp.float32),
        mesh=mesh,
        scratch_types=[
            pltpu.VMEM((2, STAGE, CH), jnp.int32),
            pltpu.VMEM((2, STAGE, CH), jnp.int32),
            pltpu.VMEM((NBUF, CH, N_FEAT), jnp.float32),
            pltpu.VMEM_SHARED((ACC_ROWS, N_FEAT), jnp.float32),
            pltpu.SemaphoreType.DMA,
            pltpu.SemaphoreType.DMA,
            pltpu.SemaphoreType.DMA,
        ],
    )(h, edges, zeros)



def _mm_body(x_ref, w_ref, b_ref, o_ref):
    o_ref[...] = jnp.dot(x_ref[...], w_ref[...],
                         preferred_element_type=jnp.float32) + b_ref[...]


def _fuse_body(p_ref, w_ref, b_ref, h_ref, t_ref):
    h = jax.nn.relu(p_ref[0] + p_ref[1])
    h_ref[...] = h
    t_ref[...] = jnp.dot(h, w_ref[...],
                         preferred_element_type=jnp.float32) + b_ref[...]


def _fuse_res_body(p_ref, r_ref, w_ref, b_ref, h_ref, t_ref):
    h = jax.nn.relu(p_ref[0] + p_ref[1]) + r_ref[...]
    h_ref[...] = h
    t_ref[...] = jnp.dot(h, w_ref[...],
                         preferred_element_type=jnp.float32) + b_ref[...]


def _final_body(p_ref, r_ref, w_ref, b_ref, o_ref):
    h = jax.nn.relu(p_ref[0] + p_ref[1]) + r_ref[...]
    o_ref[...] = jnp.dot(h, w_ref[...],
                         preferred_element_type=jnp.float32) + b_ref[...]


_row_spec = pl.BlockSpec((MB, N_FEAT), lambda i: (i, 0))
_p_spec = pl.BlockSpec((NC, MB, N_FEAT), lambda i: (0, i, 0))
_w_spec = pl.BlockSpec((N_FEAT, N_FEAT), lambda i: (0, 0))
_b_spec = pl.BlockSpec((1, N_FEAT), lambda i: (0, 0))
_wl_spec = pl.BlockSpec((N_FEAT, N_CLASSES), lambda i: (0, 0))
_bl_spec = pl.BlockSpec((1, N_CLASSES), lambda i: (0, 0))
_o_spec = pl.BlockSpec((MB, N_CLASSES), lambda i: (i, 0))
_hh = jax.ShapeDtypeStruct((N_NODES, N_FEAT), jnp.float32)


def _mm(x, w, b):
    return pl.pallas_call(
        _mm_body,
        grid=(NBLK,),
        in_specs=[_row_spec, _w_spec, _b_spec],
        out_specs=_row_spec,
        out_shape=_hh,
    )(x, w, b)


def _fuse(p, w, b):
    return pl.pallas_call(
        _fuse_body,
        grid=(NBLK,),
        in_specs=[_p_spec, _w_spec, _b_spec],
        out_specs=[_row_spec, _row_spec],
        out_shape=[_hh, _hh],
    )(p, w, b)


def _fuse_res(p, r, w, b):
    return pl.pallas_call(
        _fuse_res_body,
        grid=(NBLK,),
        in_specs=[_p_spec, _row_spec, _w_spec, _b_spec],
        out_specs=[_row_spec, _row_spec],
        out_shape=[_hh, _hh],
    )(p, r, w, b)


def _final(p, r, w, b):
    return pl.pallas_call(
        _final_body,
        grid=(NBLK,),
        in_specs=[_p_spec, _row_spec, _wl_spec, _bl_spec],
        out_specs=_o_spec,
        out_shape=jax.ShapeDtypeStruct((N_NODES, N_CLASSES), jnp.float32),
    )(p, r, w, b)



def kernel(x, edge_index, W0, b0, W1, b1, W2, b2, Wl, bl):
    edges = edge_index.astype(jnp.int32).reshape(2, NW, STAGES, STAGE, CH)
    zeros = jnp.zeros((CH, N_FEAT), jnp.float32)

    t0 = _mm(x, W0, b0.reshape(1, N_FEAT))
    p = _aggregate(t0, edges, zeros)
    h0, t1 = _fuse(p, W1, b1.reshape(1, N_FEAT))
    p = _aggregate(t1, edges, zeros)
    h1, t2 = _fuse_res(p, h0, W2, b2.reshape(1, N_FEAT))
    p = _aggregate(t2, edges, zeros)
    return _final(p, h1, Wl, bl.reshape(1, N_CLASSES))

# --- scband reference (transcript-rebuilt; emitter-appended) ---
"""Pipeline reference for scband-res-gcn-15195594293931 (READ-ONLY COPY).

The authoritative reference and input builder live on the scoring server;
editing this copy changes nothing except your own understanding.
"""

import jax, jax.numpy as jnp
import numpy as np

N_NODES = 10000
N_EDGES = 320000
N_FEAT = 128
N_HID = 128
N_CLASSES = 40


def _gcn_layer(x, src, dst, W, b, n_nodes):
    # GraphConv: linear transform then sparse neighbor aggregation (A @ (x W) + b)
    h = x @ W + b
    msgs = jnp.take(h, src, axis=0)
    return jax.ops.segment_sum(msgs, dst, num_segments=n_nodes)


def setup_inputs(seed: int = 0) -> dict:
    key = jax.random.key(seed)
    ks = jax.random.split(key, 12)
    x = jax.random.normal(ks[0], (N_NODES, N_FEAT), dtype=jnp.float32)
    edge_index = jax.random.randint(ks[1], (2, N_EDGES), 0, N_NODES, dtype=jnp.int64)
    s0 = 1.0 / np.sqrt(N_FEAT)
    s1 = 1.0 / np.sqrt(N_HID)
    W0 = jax.random.normal(ks[2], (N_FEAT, N_HID), dtype=jnp.float32) * s0
    b0 = jnp.zeros((N_HID,), dtype=jnp.float32)
    W1 = jax.random.normal(ks[3], (N_HID, N_HID), dtype=jnp.float32) * s1
    b1 = jnp.zeros((N_HID,), dtype=jnp.float32)
    W2 = jax.random.normal(ks[4], (N_HID, N_HID), dtype=jnp.float32) * s1
    b2 = jnp.zeros((N_HID,), dtype=jnp.float32)
    Wl = jax.random.normal(ks[5], (N_HID, N_CLASSES), dtype=jnp.float32) * s1
    bl = jnp.zeros((N_CLASSES,), dtype=jnp.float32)
    return {"x": x, "edge_index": edge_index, "W0": W0, "b0": b0,
            "W1": W1, "b1": b1, "W2": W2, "b2": b2, "Wl": Wl, "bl": bl}


def reference(x, edge_index, W0, b0, W1, b1, W2, b2, Wl, bl):
    src = edge_index[0]
    dst = edge_index[1]
    n = x.shape[0]
    # layer 0 (no residual); dropout is identity in eval mode
    h = _gcn_layer(x, src, dst, W0, b0, n)
    h = jax.nn.relu(h)
    # layers 1..n_layers-1 with residual
    for (W, b) in ((W1, b1), (W2, b2)):
        h_res = h
        h = _gcn_layer(h, src, dst, W, b, n)
        h = jax.nn.relu(h)
        h = h + h_res
    return h @ Wl + bl

if __name__ == "__main__":
    import jax
    _d = setup_inputs()
    print(jax.jit(kernel)(*tuple(_d.values())))

</pallas_src>

<mosaic_0001>
#map = affine_map<(d0, d1) -> (0, 0)>
#map1 = affine_map<(d0, d1) -> (0, 0, 0, 0, 0)>
#map2 = affine_map<(d0, d1) -> (0, 0, 0)>
module attributes {stable_mosaic.version = 14 : i64} {
  func.func @_agg_body(%arg0: i32, %arg1: i32, %arg2: memref<10000x128xf32, #tpu.memory_space<hbm>>, %arg3: memref<2x32x10x10x100xi32, #tpu.memory_space<hbm>>, %arg4: memref<100x128xf32, #tpu.memory_space<hbm>>, %arg5: memref<2x10112x128xf32, #tpu.memory_space<hbm>>, %arg6: memref<2x10x100xi32, #tpu.memory_space<vmem>>, %arg7: memref<2x10x100xi32, #tpu.memory_space<vmem>>, %arg8: memref<3x100x128xf32, #tpu.memory_space<vmem>>, %arg9: memref<10112x128xf32, #tpu.memory_space<vmem_shared>>, %arg10: memref<!tpu.dma_semaphore, #tpu.memory_space<semaphore_mem>>, %arg11: memref<!tpu.dma_semaphore, #tpu.memory_space<semaphore_mem>>, %arg12: memref<!tpu.dma_semaphore, #tpu.memory_space<semaphore_mem>>) attributes {dimension_semantics = [#tpu.dimension_semantics<core_parallel>, #tpu.dimension_semantics<subcore_parallel>], iteration_bounds = array<i64: 2, 16>, scalar_prefetch = 0 : i64, scratch_operands = 7 : i64, tpu.core_type = #tpu.core_type<sc_vector_subcore>, window_params = [{transform_indices = #map}, {transform_indices = #map1}, {transform_indices = #map}, {transform_indices = #map2}]} {
    %mul3A = arith.constant 2 : i32
    %mul3A_0 = arith.muli %arg1, %mul3A : i32
    %add3A = arith.addi %mul3A_0, %arg0 : i32
    %run_scoped3A = arith.constant 0 : i32
    "tpu.region"() ({
      %run_scoped3A_88 = tpu.sem_alloc : memref<!tpu.dma_semaphore, #tpu.memory_space<semaphore_mem>>
      %dma_start3A_89 = arith.constant 0 : i32
      %dma_start3A_90 = arith.constant 0 : i32
      %dma_start3A_91 = tpu.memref_slice %arg8[%run_scoped3A, %dma_start3A_89, %dma_start3A_90] : memref<3x100x128xf32, #tpu.memory_space<vmem>> -> memref<1x100x128xf32, #tpu.memory_space<vmem>>
      %dma_start3A_92 = tpu.memref_squeeze %dma_start3A_91 : memref<1x100x128xf32, #tpu.memory_space<vmem>> -> memref<100x128xf32, #tpu.memory_space<vmem>>
      %dma_start3A_93 = arith.constant 0 : i32
      %dma_start3A_94 = arith.constant 0 : i32
      %dma_start3A_95 = tpu.memref_slice %arg8[%run_scoped3A, %dma_start3A_93, %dma_start3A_94] : memref<3x100x128xf32, #tpu.memory_space<vmem>> -> memref<1x100x128xf32, #tpu.memory_space<vmem>>
      %dma_start3A_96 = tpu.memref_squeeze %dma_start3A_95 : memref<1x100x128xf32, #tpu.memory_space<vmem>> -> memref<100x128xf32, #tpu.memory_space<vmem>>
      tpu.enqueue_dma source(%arg4 : memref<100x128xf32, #tpu.memory_space<hbm>>) target(%dma_start3A_96 : memref<100x128xf32, #tpu.memory_space<vmem>>) target_semaphore(%run_scoped3A_88 : memref<!tpu.dma_semaphore, #tpu.memory_space<semaphore_mem>>)
      %dma_wait3A_97 = arith.constant 0 : i32
      %dma_wait3A_98 = arith.constant 0 : i32
      %dma_wait3A_99 = tpu.memref_slice %arg8[%run_scoped3A, %dma_wait3A_97, %dma_wait3A_98] : memref<3x100x128xf32, #tpu.memory_space<vmem>> -> memref<1x100x128xf32, #tpu.memory_space<vmem>>
      %dma_wait3A_100 = tpu.memref_squeeze %dma_wait3A_99 : memref<1x100x128xf32, #tpu.memory_space<vmem>> -> memref<100x128xf32, #tpu.memory_space<vmem>>
      %dma_wait3A_101 = arith.constant 0 : i32
      %dma_wait3A_102 = arith.constant 0 : i32
      %dma_wait3A_103 = tpu.memref_slice %arg8[%run_scoped3A, %dma_wait3A_101, %dma_wait3A_102] : memref<3x100x128xf32, #tpu.memory_space<vmem>> -> memref<1x100x128xf32, #tpu.memory_space<vmem>>
      %dma_wait3A_104 = tpu.memref_squeeze %dma_wait3A_103 : memref<1x100x128xf32, #tpu.memory_space<vmem>> -> memref<100x128xf32, #tpu.memory_space<vmem>>
      tpu.wait_dma2 semaphore(%run_scoped3A_88 : memref<!tpu.dma_semaphore, #tpu.memory_space<semaphore_mem>>) src(%arg4 : memref<100x128xf32, #tpu.memory_space<hbm>>) dst(%dma_wait3A_104 : memref<100x128xf32, #tpu.memory_space<vmem>>)
      tpu.yield
    }) : () -> ()
    %mul3A_1 = arith.constant 632 : i32
    %mul3A_2 = arith.muli %arg1, %mul3A_1 : i32
    %add3A_3 = arith.constant 0 : i32
    %add3A_4 = arith.addi %mul3A_2, %add3A_3 : i32
    %run_scoped3A_5 = arith.constant 0 : i32
    "tpu.region"() ({
      %run_scoped3A_88 = tpu.sem_alloc : memref<!tpu.dma_semaphore, #tpu.memory_space<semaphore_mem>>
      %dma_start3A_89 = arith.constant 0 : i32
      %dma_start3A_90 = arith.constant 0 : i32
      %dma_start3A_91 = tpu.memref_slice %arg8[%run_scoped3A_5, %dma_start3A_89, %dma_start3A_90] : memref<3x100x128xf32, #tpu.memory_space<vmem>> -> memref<1x100x128xf32, #tpu.memory_space<vmem>>
      %dma_start3A_92 = tpu.memref_squeeze %dma_start3A_91 : memref<1x100x128xf32, #tpu.memory_space<vmem>> -> memref<100x128xf32, #tpu.memory_space<vmem>>
      %dma_start3A_93 = arith.constant 0 : i32
      %dma_start3A_94 = tpu.memref_slice %arg9[%add3A_4, %dma_start3A_93] : memref<10112x128xf32, #tpu.memory_space<vmem_shared>> -> memref<100x128xf32, #tpu.memory_space<vmem_shared>>
      %dma_start3A_95 = arith.constant 0 : i32
      %dma_start3A_96 = tpu.memref_slice %arg9[%add3A_4, %dma_start3A_95] : memref<10112x128xf32, #tpu.memory_space<vmem_shared>> -> memref<100x128xf32, #tpu.memory_space<vmem_shared>>
      %dma_start3A_97 = arith.constant 0 : i32
      %dma_start3A_98 = arith.constant 0 : i32
      %dma_start3A_99 = tpu.memref_slice %arg8[%run_scoped3A_5, %dma_start3A_97, %dma_start3A_98] : memref<3x100x128xf32, #tpu.memory_space<vmem>> -> memref<1x100x128xf32, #tpu.memory_space<vmem>>
      %dma_start3A_100 = tpu.memref_squeeze %dma_start3A_99 : memref<1x100x128xf32, #tpu.memory_space<vmem>> -> memref<100x128xf32, #tpu.memory_space<vmem>>
      tpu.enqueue_dma source(%dma_start3A_100 : memref<100x128xf32, #tpu.memory_space<vmem>>) target(%dma_start3A_96 : memref<100x128xf32, #tpu.memory_space<vmem_shared>>) target_semaphore(%run_scoped3A_88 : memref<!tpu.dma_semaphore, #tpu.memory_space<semaphore_mem>>)
      %dma_wait3A_101 = arith.constant 0 : i32
      %dma_wait3A_102 = arith.constant 0 : i32
      %dma_wait3A_103 = tpu.memref_slice %arg8[%run_scoped3A_5, %dma_wait3A_101, %dma_wait3A_102] : memref<3x100x128xf32, #tpu.memory_space<vmem>> -> memref<1x100x128xf32, #tpu.memory_space<vmem>>
      %dma_wait3A_104 = tpu.memref_squeeze %dma_wait3A_103 : memref<1x100x128xf32, #tpu.memory_space<vmem>> -> memref<100x128xf32, #tpu.memory_space<vmem>>
      %dma_wait3A_105 = arith.constant 0 : i32
      %dma_wait3A_106 = tpu.memref_slice %arg9[%add3A_4, %dma_wait3A_105] : memref<10112x128xf32, #tpu.memory_space<vmem_shared>> -> memref<100x128xf32, #tpu.memory_space<vmem_shared>>
      %dma_wait3A_107 = arith.constant 0 : i32
      %dma_wait3A_108 = tpu.memref_slice %arg9[%add3A_4, %dma_wait3A_107] : memref<10112x128xf32, #tpu.memory_space<vmem_shared>> -> memref<100x128xf32, #tpu.memory_space<vmem_shared>>
      %dma_wait3A_109 = arith.constant 0 : i32
      %dma_wait3A_110 = arith.constant 0 : i32
      %dma_wait3A_111 = tpu.memref_slice %arg8[%run_scoped3A_5, %dma_wait3A_109, %dma_wait3A_110] : memref<3x100x128xf32, #tpu.memory_space<vmem>> -> memref<1x100x128xf32, #tpu.memory_space<vmem>>
      %dma_wait3A_112 = tpu.memref_squeeze %dma_wait3A_111 : memref<1x100x128xf32, #tpu.memory_space<vmem>> -> memref<100x128xf32, #tpu.memory_space<vmem>>
      tpu.wait_dma2 semaphore(%run_scoped3A_88 : memref<!tpu.dma_semaphore, #tpu.memory_space<semaphore_mem>>) src(%dma_wait3A_112 : memref<100x128xf32, #tpu.memory_space<vmem>>) dst(%dma_wait3A_108 : memref<100x128xf32, #tpu.memory_space<vmem_shared>>)
      tpu.yield
    }) : () -> ()
    %mul3A_6 = arith.constant 632 : i32
    %mul3A_7 = arith.muli %arg1, %mul3A_6 : i32
    %add3A_8 = arith.constant 100 : i32
    %add3A_9 = arith.addi %mul3A_7, %add3A_8 : i32
    %run_scoped3A_10 = arith.constant 0 : i32
    "tpu.region"() ({
      %run_scoped3A_88 = tpu.sem_alloc : memref<!tpu.dma_semaphore, #tpu.memory_space<semaphore_mem>>
      %dma_start3A_89 = arith.constant 0 : i32
      %dma_start3A_90 = arith.constant 0 : i32
      %dma_start3A_91 = tpu.memref_slice %arg8[%run_scoped3A_10, %dma_start3A_89, %dma_start3A_90] : memref<3x100x128xf32, #tpu.memory_space<vmem>> -> memref<1x100x128xf32, #tpu.memory_space<vmem>>
      %dma_start3A_92 = tpu.memref_squeeze %dma_start3A_91 : memref<1x100x128xf32, #tpu.memory_space<vmem>> -> memref<100x128xf32, #tpu.memory_space<vmem>>
      %dma_start3A_93 = arith.constant 0 : i32
      %dma_start3A_94 = tpu.memref_slice %arg9[%add3A_9, %dma_start3A_93] : memref<10112x128xf32, #tpu.memory_space<vmem_shared>> -> memref<100x128xf32, #tpu.memory_space<vmem_shared>>
      %dma_start3A_95 = arith.constant 0 : i32
      %dma_start3A_96 = tpu.memref_slice %arg9[%add3A_9, %dma_start3A_95] : memref<10112x128xf32, #tpu.memory_space<vmem_shared>> -> memref<100x128xf32, #tpu.memory_space<vmem_shared>>
      %dma_start3A_97 = arith.constant 0 : i32
      %dma_start3A_98 = arith.constant 0 : i32
      %dma_start3A_99 = tpu.memref_slice %arg8[%run_scoped3A_10, %dma_start3A_97, %dma_start3A_98] : memref<3x100x128xf32, #tpu.memory_space<vmem>> -> memref<1x100x128xf32, #tpu.memory_space<vmem>>
      %dma_start3A_100 = tpu.memref_squeeze %dma_start3A_99 : memref<1x100x128xf32, #tpu.memory_space<vmem>> -> memref<100x128xf32, #tpu.memory_space<vmem>>
      tpu.enqueue_dma source(%dma_start3A_100 : memref<100x128xf32, #tpu.memory_space<vmem>>) target(%dma_start3A_96 : memref<100x128xf32, #tpu.memory_space<vmem_shared>>) target_semaphore(%run_scoped3A_88 : memref<!tpu.dma_semaphore, #tpu.memory_space<semaphore_mem>>)
      %dma_wait3A_101 = arith.constant 0 : i32
      %dma_wait3A_102 = arith.constant 0 : i32
      %dma_wait3A_103 = tpu.memref_slice %arg8[%run_scoped3A_10, %dma_wait3A_101, %dma_wait3A_102] : memref<3x100x128xf32, #tpu.memory_space<vmem>> -> memref<1x100x128xf32, #tpu.memory_space<vmem>>
      %dma_wait3A_104 = tpu.memref_squeeze %dma_wait3A_103 : memref<1x100x128xf32, #tpu.memory_space<vmem>> -> memref<100x128xf32, #tpu.memory_space<vmem>>
      %dma_wait3A_105 = arith.constant 0 : i32
      %dma_wait3A_106 = tpu.memref_slice %arg9[%add3A_9, %dma_wait3A_105] : memref<10112x128xf32, #tpu.memory_space<vmem_shared>> -> memref<100x128xf32, #tpu.memory_space<vmem_shared>>
      %dma_wait3A_107 = arith.constant 0 : i32
      %dma_wait3A_108 = tpu.memref_slice %arg9[%add3A_9, %dma_wait3A_107] : memref<10112x128xf32, #tpu.memory_space<vmem_shared>> -> memref<100x128xf32, #tpu.memory_space<vmem_shared>>
      %dma_wait3A_109 = arith.constant 0 : i32
      %dma_wait3A_110 = arith.constant 0 : i32
      %dma_wait3A_111 = tpu.memref_slice %arg8[%run_scoped3A_10, %dma_wait3A_109, %dma_wait3A_110] : memref<3x100x128xf32, #tpu.memory_space<vmem>> -> memref<1x100x128xf32, #tpu.memory_space<vmem>>
      %dma_wait3A_112 = tpu.memref_squeeze %dma_wait3A_111 : memref<1x100x128xf32, #tpu.memory_space<vmem>> -> memref<100x128xf32, #tpu.memory_space<vmem>>
      tpu.wait_dma2 semaphore(%run_scoped3A_88 : memref<!tpu.dma_semaphore, #tpu.memory_space<semaphore_mem>>) src(%dma_wait3A_112 : memref<100x128xf32, #tpu.memory_space<vmem>>) dst(%dma_wait3A_108 : memref<100x128xf32, #tpu.memory_space<vmem_shared>>)
      tpu.yield
    }) : () -> ()
    %mul3A_11 = arith.constant 632 : i32
    %mul3A_12 = arith.muli %arg1, %mul3A_11 : i32
    %add3A_13 = arith.constant 200 : i32
    %add3A_14 = arith.addi %mul3A_12, %add3A_13 : i32
    %run_scoped3A_15 = arith.constant 0 : i32
    "tpu.region"() ({
      %run_scoped3A_88 = tpu.sem_alloc : memref<!tpu.dma_semaphore, #tpu.memory_space<semaphore_mem>>
      %dma_start3A_89 = arith.constant 0 : i32
      %dma_start3A_90 = arith.constant 0 : i32
      %dma_start3A_91 = tpu.memref_slice %arg8[%run_scoped3A_15, %dma_start3A_89, %dma_start3A_90] : memref<3x100x128xf32, #tpu.memory_space<vmem>> -> memref<1x100x128xf32, #tpu.memory_space<vmem>>
      %dma_start3A_92 = tpu.memref_squeeze %dma_start3A_91 : memref<1x100x128xf32, #tpu.memory_space<vmem>> -> memref<100x128xf32, #tpu.memory_space<vmem>>
      %dma_start3A_93 = arith.constant 0 : i32
      %dma_start3A_94 = tpu.memref_slice %arg9[%add3A_14, %dma_start3A_93] : memref<10112x128xf32, #tpu.memory_space<vmem_shared>> -> memref<100x128xf32, #tpu.memory_space<vmem_shared>>
      %dma_start3A_95 = arith.constant 0 : i32
      %dma_start3A_96 = tpu.memref_slice %arg9[%add3A_14, %dma_start3A_95] : memref<10112x128xf32, #tpu.memory_space<vmem_shared>> -> memref<100x128xf32, #tpu.memory_space<vmem_shared>>
      %dma_start3A_97 = arith.constant 0 : i32
      %dma_start3A_98 = arith.constant 0 : i32
      %dma_start3A_99 = tpu.memref_slice %arg8[%run_scoped3A_15, %dma_start3A_97, %dma_start3A_98] : memref<3x100x128xf32, #tpu.memory_space<vmem>> -> memref<1x100x128xf32, #tpu.memory_space<vmem>>
      %dma_start3A_100 = tpu.memref_squeeze %dma_start3A_99 : memref<1x100x128xf32, #tpu.memory_space<vmem>> -> memref<100x128xf32, #tpu.memory_space<vmem>>
      tpu.enqueue_dma source(%dma_start3A_100 : memref<100x128xf32, #tpu.memory_space<vmem>>) target(%dma_start3A_96 : memref<100x128xf32, #tpu.memory_space<vmem_shared>>) target_semaphore(%run_scoped3A_88 : memref<!tpu.dma_semaphore, #tpu.memory_space<semaphore_mem>>)
      %dma_wait3A_101 = arith.constant 0 : i32
      %dma_wait3A_102 = arith.constant 0 : i32
      %dma_wait3A_103 = tpu.memref_slice %arg8[%run_scoped3A_15, %dma_wait3A_101, %dma_wait3A_102] : memref<3x100x128xf32, #tpu.memory_space<vmem>> -> memref<1x100x128xf32, #tpu.memory_space<vmem>>
      %dma_wait3A_104 = tpu.memref_squeeze %dma_wait3A_103 : memref<1x100x128xf32, #tpu.memory_space<vmem>> -> memref<100x128xf32, #tpu.memory_space<vmem>>
      %dma_wait3A_105 = arith.constant 0 : i32
      %dma_wait3A_106 = tpu.memref_slice %arg9[%add3A_14, %dma_wait3A_105] : memref<10112x128xf32, #tpu.memory_space<vmem_shared>> -> memref<100x128xf32, #tpu.memory_space<vmem_shared>>
      %dma_wait3A_107 = arith.constant 0 : i32
      %dma_wait3A_108 = tpu.memref_slice %arg9[%add3A_14, %dma_wait3A_107] : memref<10112x128xf32, #tpu.memory_space<vmem_shared>> -> memref<100x128xf32, #tpu.memory_space<vmem_shared>>
      %dma_wait3A_109 = arith.constant 0 : i32
      %dma_wait3A_110 = arith.constant 0 : i32
      %dma_wait3A_111 = tpu.memref_slice %arg8[%run_scoped3A_15, %dma_wait3A_109, %dma_wait3A_110] : memref<3x100x128xf32, #tpu.memory_space<vmem>> -> memref<1x100x128xf32, #tpu.memory_space<vmem>>
      %dma_wait3A_112 = tpu.memref_squeeze %dma_wait3A_111 : memref<1x100x128xf32, #tpu.memory_space<vmem>> -> memref<100x128xf32, #tpu.memory_space<vmem>>
      tpu.wait_dma2 semaphore(%run_scoped3A_88 : memref<!tpu.dma_semaphore, #tpu.memory_space<semaphore_mem>>) src(%dma_wait3A_112 : memref<100x128xf32, #tpu.memory_space<vmem>>) dst(%dma_wait3A_108 : memref<100x128xf32, #tpu.memory_space<vmem_shared>>)
      tpu.yield
    }) : () -> ()
    %mul3A_16 = arith.constant 632 : i32
    %mul3A_17 = arith.muli %arg1, %mul3A_16 : i32
    %add3A_18 = arith.constant 300 : i32
    %add3A_19 = arith.addi %mul3A_17, %add3A_18 : i32
    %run_scoped3A_20 = arith.constant 0 : i32
    "tpu.region"() ({
      %run_scoped3A_88 = tpu.sem_alloc : memref<!tpu.dma_semaphore, #tpu.memory_space<semaphore_mem>>
      %dma_start3A_89 = arith.constant 0 : i32
      %dma_start3A_90 = arith.constant 0 : i32
      %dma_start3A_91 = tpu.memref_slice %arg8[%run_scoped3A_20, %dma_start3A_89, %dma_start3A_90] : memref<3x100x128xf32, #tpu.memory_space<vmem>> -> memref<1x100x128xf32, #tpu.memory_space<vmem>>
      %dma_start3A_92 = tpu.memref_squeeze %dma_start3A_91 : memref<1x100x128xf32, #tpu.memory_space<vmem>> -> memref<100x128xf32, #tpu.memory_space<vmem>>
      %dma_start3A_93 = arith.constant 0 : i32
      %dma_start3A_94 = tpu.memref_slice %arg9[%add3A_19, %dma_start3A_93] : memref<10112x128xf32, #tpu.memory_space<vmem_shared>> -> memref<100x128xf32, #tpu.memory_space<vmem_shared>>
      %dma_start3A_95 = arith.constant 0 : i32
      %dma_start3A_96 = tpu.memref_slice %arg9[%add3A_19, %dma_start3A_95] : memref<10112x128xf32, #tpu.memory_space<vmem_shared>> -> memref<100x128xf32, #tpu.memory_space<vmem_shared>>
      %dma_start3A_97 = arith.constant 0 : i32
      %dma_start3A_98 = arith.constant 0 : i32
      %dma_start3A_99 = tpu.memref_slice %arg8[%run_scoped3A_20, %dma_start3A_97, %dma_start3A_98] : memref<3x100x128xf32, #tpu.memory_space<vmem>> -> memref<1x100x128xf32, #tpu.memory_space<vmem>>
      %dma_start3A_100 = tpu.memref_squeeze %dma_start3A_99 : memref<1x100x128xf32, #tpu.memory_space<vmem>> -> memref<100x128xf32, #tpu.memory_space<vmem>>
      tpu.enqueue_dma source(%dma_start3A_100 : memref<100x128xf32, #tpu.memory_space<vmem>>) target(%dma_start3A_96 : memref<100x128xf32, #tpu.memory_space<vmem_shared>>) target_semaphore(%run_scoped3A_88 : memref<!tpu.dma_semaphore, #tpu.memory_space<semaphore_mem>>)
      %dma_wait3A_101 = arith.constant 0 : i32
      %dma_wait3A_102 = arith.constant 0 : i32
      %dma_wait3A_103 = tpu.memref_slice %arg8[%run_scoped3A_20, %dma_wait3A_101, %dma_wait3A_102] : memref<3x100x128xf32, #tpu.memory_space<vmem>> -> memref<1x100x128xf32, #tpu.memory_space<vmem>>
      %dma_wait3A_104 = tpu.memref_squeeze %dma_wait3A_103 : memref<1x100x128xf32, #tpu.memory_space<vmem>> -> memref<100x128xf32, #tpu.memory_space<vmem>>
      %dma_wait3A_105 = arith.constant 0 : i32
      %dma_wait3A_106 = tpu.memref_slice %arg9[%add3A_19, %dma_wait3A_105] : memref<10112x128xf32, #tpu.memory_space<vmem_shared>> -> memref<100x128xf32, #tpu.memory_space<vmem_shared>>
      %dma_wait3A_107 = arith.constant 0 : i32
      %dma_wait3A_108 = tpu.memref_slice %arg9[%add3A_19, %dma_wait3A_107] : memref<10112x128xf32, #tpu.memory_space<vmem_shared>> -> memref<100x128xf32, #tpu.memory_space<vmem_shared>>
      %dma_wait3A_109 = arith.constant 0 : i32
      %dma_wait3A_110 = arith.constant 0 : i32
      %dma_wait3A_111 = tpu.memref_slice %arg8[%run_scoped3A_20, %dma_wait3A_109, %dma_wait3A_110] : memref<3x100x128xf32, #tpu.memory_space<vmem>> -> memref<1x100x128xf32, #tpu.memory_space<vmem>>
      %dma_wait3A_112 = tpu.memref_squeeze %dma_wait3A_111 : memref<1x100x128xf32, #tpu.memory_space<vmem>> -> memref<100x128xf32, #tpu.memory_space<vmem>>
      tpu.wait_dma2 semaphore(%run_scoped3A_88 : memref<!tpu.dma_semaphore, #tpu.memory_space<semaphore_mem>>) src(%dma_wait3A_112 : memref<100x128xf32, #tpu.memory_space<vmem>>) dst(%dma_wait3A_108 : memref<100x128xf32, #tpu.memory_space<vmem_shared>>)
      tpu.yield
    }) : () -> ()
    %mul3A_21 = arith.constant 632 : i32
    %mul3A_22 = arith.muli %arg1, %mul3A_21 : i32
    %add3A_23 = arith.constant 400 : i32
    %add3A_24 = arith.addi %mul3A_22, %add3A_23 : i32
    %run_scoped3A_25 = arith.constant 0 : i32
    "tpu.region"() ({
      %run_scoped3A_88 = tpu.sem_alloc : memref<!tpu.dma_semaphore, #tpu.memory_space<semaphore_mem>>
      %dma_start3A_89 = arith.constant 0 : i32
      %dma_start3A_90 = arith.constant 0 : i32
      %dma_start3A_91 = tpu.memref_slice %arg8[%run_scoped3A_25, %dma_start3A_89, %dma_start3A_90] : memref<3x100x128xf32, #tpu.memory_space<vmem>> -> memref<1x100x128xf32, #tpu.memory_space<vmem>>
      %dma_start3A_92 = tpu.memref_squeeze %dma_start3A_91 : memref<1x100x128xf32, #tpu.memory_space<vmem>> -> memref<100x128xf32, #tpu.memory_space<vmem>>
      %dma_start3A_93 = arith.constant 0 : i32
      %dma_start3A_94 = tpu.memref_slice %arg9[%add3A_24, %dma_start3A_93] : memref<10112x128xf32, #tpu.memory_space<vmem_shared>> -> memref<100x128xf32, #tpu.memory_space<vmem_shared>>
      %dma_start3A_95 = arith.constant 0 : i32
      %dma_start3A_96 = tpu.memref_slice %arg9[%add3A_24, %dma_start3A_95] : memref<10112x128xf32, #tpu.memory_space<vmem_shared>> -> memref<100x128xf32, #tpu.memory_space<vmem_shared>>
      %dma_start3A_97 = arith.constant 0 : i32
      %dma_start3A_98 = arith.constant 0 : i32
      %dma_start3A_99 = tpu.memref_slice %arg8[%run_scoped3A_25, %dma_start3A_97, %dma_start3A_98] : memref<3x100x128xf32, #tpu.memory_space<vmem>> -> memref<1x100x128xf32, #tpu.memory_space<vmem>>
      %dma_start3A_100 = tpu.memref_squeeze %dma_start3A_99 : memref<1x100x128xf32, #tpu.memory_space<vmem>> -> memref<100x128xf32, #tpu.memory_space<vmem>>
      tpu.enqueue_dma source(%dma_start3A_100 : memref<100x128xf32, #tpu.memory_space<vmem>>) target(%dma_start3A_96 : memref<100x128xf32, #tpu.memory_space<vmem_shared>>) target_semaphore(%run_scoped3A_88 : memref<!tpu.dma_semaphore, #tpu.memory_space<semaphore_mem>>)
      %dma_wait3A_101 = arith.constant 0 : i32
      %dma_wait3A_102 = arith.constant 0 : i32
      %dma_wait3A_103 = tpu.memref_slice %arg8[%run_scoped3A_25, %dma_wait3A_101, %dma_wait3A_102] : memref<3x100x128xf32, #tpu.memory_space<vmem>> -> memref<1x100x128xf32, #tpu.memory_space<vmem>>
      %dma_wait3A_104 = tpu.memref_squeeze %dma_wait3A_103 : memref<1x100x128xf32, #tpu.memory_space<vmem>> -> memref<100x128xf32, #tpu.memory_space<vmem>>
      %dma_wait3A_105 = arith.constant 0 : i32
      %dma_wait3A_106 = tpu.memref_slice %arg9[%add3A_24, %dma_wait3A_105] : memref<10112x128xf32, #tpu.memory_space<vmem_shared>> -> memref<100x128xf32, #tpu.memory_space<vmem_shared>>
      %dma_wait3A_107 = arith.constant 0 : i32
      %dma_wait3A_108 = tpu.memref_slice %arg9[%add3A_24, %dma_wait3A_107] : memref<10112x128xf32, #tpu.memory_space<vmem_shared>> -> memref<100x128xf32, #tpu.memory_space<vmem_shared>>
      %dma_wait3A_109 = arith.constant 0 : i32
      %dma_wait3A_110 = arith.constant 0 : i32
      %dma_wait3A_111 = tpu.memref_slice %arg8[%run_scoped3A_25, %dma_wait3A_109, %dma_wait3A_110] : memref<3x100x128xf32, #tpu.memory_space<vmem>> -> memref<1x100x128xf32, #tpu.memory_space<vmem>>
      %dma_wait3A_112 = tpu.memref_squeeze %dma_wait3A_111 : memref<1x100x128xf32, #tpu.memory_space<vmem>> -> memref<100x128xf32, #tpu.memory_space<vmem>>
      tpu.wait_dma2 semaphore(%run_scoped3A_88 : memref<!tpu.dma_semaphore, #tpu.memory_space<semaphore_mem>>) src(%dma_wait3A_112 : memref<100x128xf32, #tpu.memory_space<vmem>>) dst(%dma_wait3A_108 : memref<100x128xf32, #tpu.memory_space<vmem_shared>>)
      tpu.yield
    }) : () -> ()
    %mul3A_26 = arith.constant 632 : i32
    %mul3A_27 = arith.muli %arg1, %mul3A_26 : i32
    %add3A_28 = arith.constant 500 : i32
    %add3A_29 = arith.addi %mul3A_27, %add3A_28 : i32
    %run_scoped3A_30 = arith.constant 0 : i32
    "tpu.region"() ({
      %run_scoped3A_88 = tpu.sem_alloc : memref<!tpu.dma_semaphore, #tpu.memory_space<semaphore_mem>>
      %dma_start3A_89 = arith.constant 0 : i32
      %dma_start3A_90 = arith.constant 0 : i32
      %dma_start3A_91 = tpu.memref_slice %arg8[%run_scoped3A_30, %dma_start3A_89, %dma_start3A_90] : memref<3x100x128xf32, #tpu.memory_space<vmem>> -> memref<1x100x128xf32, #tpu.memory_space<vmem>>
      %dma_start3A_92 = tpu.memref_squeeze %dma_start3A_91 : memref<1x100x128xf32, #tpu.memory_space<vmem>> -> memref<100x128xf32, #tpu.memory_space<vmem>>
      %dma_start3A_93 = arith.constant 0 : i32
      %dma_start3A_94 = tpu.memref_slice %arg9[%add3A_29, %dma_start3A_93] : memref<10112x128xf32, #tpu.memory_space<vmem_shared>> -> memref<100x128xf32, #tpu.memory_space<vmem_shared>>
      %dma_start3A_95 = arith.constant 0 : i32
      %dma_start3A_96 = tpu.memref_slice %arg9[%add3A_29, %dma_start3A_95] : memref<10112x128xf32, #tpu.memory_space<vmem_shared>> -> memref<100x128xf32, #tpu.memory_space<vmem_shared>>
      %dma_start3A_97 = arith.constant 0 : i32
      %dma_start3A_98 = arith.constant 0 : i32
      %dma_start3A_99 = tpu.memref_slice %arg8[%run_scoped3A_30, %dma_start3A_97, %dma_start3A_98] : memref<3x100x128xf32, #tpu.memory_space<vmem>> -> memref<1x100x128xf32, #tpu.memory_space<vmem>>
      %dma_start3A_100 = tpu.memref_squeeze %dma_start3A_99 : memref<1x100x128xf32, #tpu.memory_space<vmem>> -> memref<100x128xf32, #tpu.memory_space<vmem>>
      tpu.enqueue_dma source(%dma_start3A_100 : memref<100x128xf32, #tpu.memory_space<vmem>>) target(%dma_start3A_96 : memref<100x128xf32, #tpu.memory_space<vmem_shared>>) target_semaphore(%run_scoped3A_88 : memref<!tpu.dma_semaphore, #tpu.memory_space<semaphore_mem>>)
      %dma_wait3A_101 = arith.constant 0 : i32
      %dma_wait3A_102 = arith.constant 0 : i32
      %dma_wait3A_103 = tpu.memref_slice %arg8[%run_scoped3A_30, %dma_wait3A_101, %dma_wait3A_102] : memref<3x100x128xf32, #tpu.memory_space<vmem>> -> memref<1x100x128xf32, #tpu.memory_space<vmem>>
      %dma_wait3A_104 = tpu.memref_squeeze %dma_wait3A_103 : memref<1x100x128xf32, #tpu.memory_space<vmem>> -> memref<100x128xf32, #tpu.memory_space<vmem>>
      %dma_wait3A_105 = arith.constant 0 : i32
      %dma_wait3A_106 = tpu.memref_slice %arg9[%add3A_29, %dma_wait3A_105] : memref<10112x128xf32, #tpu.memory_space<vmem_shared>> -> memref<100x128xf32, #tpu.memory_space<vmem_shared>>
      %dma_wait3A_107 = arith.constant 0 : i32
      %dma_wait3A_108 = tpu.memref_slice %arg9[%add3A_29, %dma_wait3A_107] : memref<10112x128xf32, #tpu.memory_space<vmem_shared>> -> memref<100x128xf32, #tpu.memory_space<vmem_shared>>
      %dma_wait3A_109 = arith.constant 0 : i32
      %dma_wait3A_110 = arith.constant 0 : i32
      %dma_wait3A_111 = tpu.memref_slice %arg8[%run_scoped3A_30, %dma_wait3A_109, %dma_wait3A_110] : memref<3x100x128xf32, #tpu.memory_space<vmem>> -> memref<1x100x128xf32, #tpu.memory_space<vmem>>
      %dma_wait3A_112 = tpu.memref_squeeze %dma_wait3A_111 : memref<1x100x128xf32, #tpu.memory_space<vmem>> -> memref<100x128xf32, #tpu.memory_space<vmem>>
      tpu.wait_dma2 semaphore(%run_scoped3A_88 : memref<!tpu.dma_semaphore, #tpu.memory_space<semaphore_mem>>) src(%dma_wait3A_112 : memref<100x128xf32, #tpu.memory_space<vmem>>) dst(%dma_wait3A_108 : memref<100x128xf32, #tpu.memory_space<vmem_shared>>)
      tpu.yield
    }) : () -> ()
    %mul3A_31 = arith.constant 632 : i32
    %mul3A_32 = arith.muli %arg1, %mul3A_31 : i32
    %add3A_33 = arith.constant 600 : i32
    %add3A_34 = arith.addi %mul3A_32, %add3A_33 : i32
    %run_scoped3A_35 = arith.constant 0 : i32
    "tpu.region"() ({
      %run_scoped3A_88 = tpu.sem_alloc : memref<!tpu.dma_semaphore, #tpu.memory_space<semaphore_mem>>
      %dma_start3A_89 = arith.constant 0 : i32
      %dma_start3A_90 = arith.constant 0 : i32
      %dma_start3A_91 = tpu.memref_slice %arg8[%run_scoped3A_35, %dma_start3A_89, %dma_start3A_90] : memref<3x100x128xf32, #tpu.memory_space<vmem>> -> memref<1x100x128xf32, #tpu.memory_space<vmem>>
      %dma_start3A_92 = tpu.memref_squeeze %dma_start3A_91 : memref<1x100x128xf32, #tpu.memory_space<vmem>> -> memref<100x128xf32, #tpu.memory_space<vmem>>
      %dma_start3A_93 = arith.constant 0 : i32
      %dma_start3A_94 = arith.constant 0 : i32
      %dma_start3A_95 = tpu.memref_slice %dma_start3A_92[%dma_start3A_93, %dma_start3A_94] : memref<100x128xf32, #tpu.memory_space<vmem>> -> memref<32x128xf32, #tpu.memory_space<vmem>>
      %dma_start3A_96 = arith.constant 0 : i32
      %dma_start3A_97 = tpu.memref_slice %arg9[%add3A_34, %dma_start3A_96] : memref<10112x128xf32, #tpu.memory_space<vmem_shared>> -> memref<32x128xf32, #tpu.memory_space<vmem_shared>>
      %dma_start3A_98 = arith.constant 0 : i32
      %dma_start3A_99 = tpu.memref_slice %arg9[%add3A_34, %dma_start3A_98] : memref<10112x128xf32, #tpu.memory_space<vmem_shared>> -> memref<32x128xf32, #tpu.memory_space<vmem_shared>>
      %dma_start3A_100 = arith.constant 0 : i32
      %dma_start3A_101 = arith.constant 0 : i32
      %dma_start3A_102 = tpu.memref_slice %arg8[%run_scoped3A_35, %dma_start3A_100, %dma_start3A_101] : memref<3x100x128xf32, #tpu.memory_space<vmem>> -> memref<1x100x128xf32, #tpu.memory_space<vmem>>
      %dma_start3A_103 = tpu.memref_squeeze %dma_start3A_102 : memref<1x100x128xf32, #tpu.memory_space<vmem>> -> memref<100x128xf32, #tpu.memory_space<vmem>>
      %dma_start3A_104 = arith.constant 0 : i32
      %dma_start3A_105 = arith.constant 0 : i32
      %dma_start3A_106 = tpu.memref_slice %dma_start3A_103[%dma_start3A_104, %dma_start3A_105] : memref<100x128xf32, #tpu.memory_space<vmem>> -> memref<32x128xf32, #tpu.memory_space<vmem>>
      tpu.enqueue_dma source(%dma_start3A_106 : memref<32x128xf32, #tpu.memory_space<vmem>>) target(%dma_start3A_99 : memref<32x128xf32, #tpu.memory_space<vmem_shared>>) target_semaphore(%run_scoped3A_88 : memref<!tpu.dma_semaphore, #tpu.memory_space<semaphore_mem>>)
      %dma_wait3A_107 = arith.constant 0 : i32
      %dma_wait3A_108 = arith.constant 0 : i32
      %dma_wait3A_109 = tpu.memref_slice %arg8[%run_scoped3A_35, %dma_wait3A_107, %dma_wait3A_108] : memref<3x100x128xf32, #tpu.memory_space<vmem>> -> memref<1x100x128xf32, #tpu.memory_space<vmem>>
      %dma_wait3A_110 = tpu.memref_squeeze %dma_wait3A_109 : memref<1x100x128xf32, #tpu.memory_space<vmem>> -> memref<100x128xf32, #tpu.memory_space<vmem>>
      %dma_wait3A_111 = arith.constant 0 : i32
      %dma_wait3A_112 = arith.constant 0 : i32
      %dma_wait3A_113 = tpu.memref_slice %dma_wait3A_110[%dma_wait3A_111, %dma_wait3A_112] : memref<100x128xf32, #tpu.memory_space<vmem>> -> memref<32x128xf32, #tpu.memory_space<vmem>>
      %dma_wait3A_114 = arith.constant 0 : i32
      %dma_wait3A_115 = tpu.memref_slice %arg9[%add3A_34, %dma_wait3A_114] : memref<10112x128xf32, #tpu.memory_space<vmem_shared>> -> memref<32x128xf32, #tpu.memory_space<vmem_shared>>
      %dma_wait3A_116 = arith.constant 0 : i32
      %dma_wait3A_117 = tpu.memref_slice %arg9[%add3A_34, %dma_wait3A_116] : memref<10112x128xf32, #tpu.memory_space<vmem_shared>> -> memref<32x128xf32, #tpu.memory_space<vmem_shared>>
      %dma_wait3A_118 = arith.constant 0 : i32
      %dma_wait3A_119 = arith.constant 0 : i32
      %dma_wait3A_120 = tpu.memref_slice %arg8[%run_scoped3A_35, %dma_wait3A_118, %dma_wait3A_119] : memref<3x100x128xf32, #tpu.memory_space<vmem>> -> memref<1x100x128xf32, #tpu.memory_space<vmem>>
      %dma_wait3A_121 = tpu.memref_squeeze %dma_wait3A_120 : memref<1x100x128xf32, #tpu.memory_space<vmem>> -> memref<100x128xf32, #tpu.memory_space<vmem>>
      %dma_wait3A_122 = arith.constant 0 : i32
      %dma_wait3A_123 = arith.constant 0 : i32
      %dma_wait3A_124 = tpu.memref_slice %dma_wait3A_121[%dma_wait3A_122, %dma_wait3A_123] : memref<100x128xf32, #tpu.memory_space<vmem>> -> memref<32x128xf32, #tpu.memory_space<vmem>>
      tpu.wait_dma2 semaphore(%run_scoped3A_88 : memref<!tpu.dma_semaphore, #tpu.memory_space<semaphore_mem>>) src(%dma_wait3A_124 : memref<32x128xf32, #tpu.memory_space<vmem>>) dst(%dma_wait3A_117 : memref<32x128xf32, #tpu.memory_space<vmem_shared>>)
      tpu.yield
    }) : () -> ()
    %barrier3A = arith.constant 0 : index
    tpu.barrier barrier_id(%barrier3A)
    %run_scoped3A_36 = arith.constant 0 : i32
    %run_scoped3A_37 = arith.constant 0 : i32
    %run_scoped3A_38 = arith.constant 0 : i32
    "tpu.region"() ({
      %run_scoped3A_88 = tpu.sem_alloc : memref<!tpu.dma_semaphore, #tpu.memory_space<semaphore_mem>>
      %dma_start3A_89 = arith.constant 0 : i32
      %dma_start3A_90 = arith.constant 0 : i32
      %dma_start3A_91 = tpu.memref_slice %arg6[%run_scoped3A_38, %dma_start3A_89, %dma_start3A_90] : memref<2x10x100xi32, #tpu.memory_space<vmem>> -> memref<1x10x100xi32, #tpu.memory_space<vmem>>
      %dma_start3A_92 = tpu.memref_squeeze %dma_start3A_91 : memref<1x10x100xi32, #tpu.memory_space<vmem>> -> memref<10x100xi32, #tpu.memory_space<vmem>>
      %dma_start3A_93 = arith.constant 0 : i32
      %dma_start3A_94 = arith.constant 0 : i32
      %dma_start3A_95 = tpu.memref_slice %arg3[%run_scoped3A_36, %add3A, %run_scoped3A_37, %dma_start3A_93, %dma_start3A_94] : memref<2x32x10x10x100xi32, #tpu.memory_space<hbm>> -> memref<1x1x1x10x100xi32, #tpu.memory_space<hbm>>
      %dma_start3A_96 = tpu.memref_squeeze %dma_start3A_95 : memref<1x1x1x10x100xi32, #tpu.memory_space<hbm>> -> memref<10x100xi32, #tpu.memory_space<hbm>>
      %dma_start3A_97 = arith.constant 0 : i32
      %dma_start3A_98 = arith.constant 0 : i32
      %dma_start3A_99 = tpu.memref_slice %arg6[%run_scoped3A_38, %dma_start3A_97, %dma_start3A_98] : memref<2x10x100xi32, #tpu.memory_space<vmem>> -> memref<1x10x100xi32, #tpu.memory_space<vmem>>
      %dma_start3A_100 = tpu.memref_squeeze %dma_start3A_99 : memref<1x10x100xi32, #tpu.memory_space<vmem>> -> memref<10x100xi32, #tpu.memory_space<vmem>>
      %dma_start3A_101 = arith.constant 0 : i32
      %dma_start3A_102 = arith.constant 0 : i32
      %dma_start3A_103 = tpu.memref_slice %arg3[%run_scoped3A_36, %add3A, %run_scoped3A_37, %dma_start3A_101, %dma_start3A_102] : memref<2x32x10x10x100xi32, #tpu.memory_space<hbm>> -> memref<1x1x1x10x100xi32, #tpu.memory_space<hbm>>
      %dma_start3A_104 = tpu.memref_squeeze %dma_start3A_103 : memref<1x1x1x10x100xi32, #tpu.memory_space<hbm>> -> memref<10x100xi32, #tpu.memory_space<hbm>>
      tpu.enqueue_dma source(%dma_start3A_104 : memref<10x100xi32, #tpu.memory_space<hbm>>) target(%dma_start3A_100 : memref<10x100xi32, #tpu.memory_space<vmem>>) target_semaphore(%run_scoped3A_88 : memref<!tpu.dma_semaphore, #tpu.memory_space<semaphore_mem>>)
      %dma_wait3A_105 = arith.constant 0 : i32
      %dma_wait3A_106 = arith.constant 0 : i32
      %dma_wait3A_107 = tpu.memref_slice %arg6[%run_scoped3A_38, %dma_wait3A_105, %dma_wait3A_106] : memref<2x10x100xi32, #tpu.memory_space<vmem>> -> memref<1x10x100xi32, #tpu.memory_space<vmem>>
      %dma_wait3A_108 = tpu.memref_squeeze %dma_wait3A_107 : memref<1x10x100xi32, #tpu.memory_space<vmem>> -> memref<10x100xi32, #tpu.memory_space<vmem>>
      %dma_wait3A_109 = arith.constant 0 : i32
      %dma_wait3A_110 = arith.constant 0 : i32
      %dma_wait3A_111 = tpu.memref_slice %arg3[%run_scoped3A_36, %add3A, %run_scoped3A_37, %dma_wait3A_109, %dma_wait3A_110] : memref<2x32x10x10x100xi32, #tpu.memory_space<hbm>> -> memref<1x1x1x10x100xi32, #tpu.memory_space<hbm>>
      %dma_wait3A_112 = tpu.memref_squeeze %dma_wait3A_111 : memref<1x1x1x10x100xi32, #tpu.memory_space<hbm>> -> memref<10x100xi32, #tpu.memory_space<hbm>>
      %dma_wait3A_113 = arith.constant 0 : i32
      %dma_wait3A_114 = arith.constant 0 : i32
      %dma_wait3A_115 = tpu.memref_slice %arg6[%run_scoped3A_38, %dma_wait3A_113, %dma_wait3A_114] : memref<2x10x100xi32, #tpu.memory_space<vmem>> -> memref<1x10x100xi32, #tpu.memory_space<vmem>>
      %dma_wait3A_116 = tpu.memref_squeeze %dma_wait3A_115 : memref<1x10x100xi32, #tpu.memory_space<vmem>> -> memref<10x100xi32, #tpu.memory_space<vmem>>
      %dma_wait3A_117 = arith.constant 0 : i32
      %dma_wait3A_118 = arith.constant 0 : i32
      %dma_wait3A_119 = tpu.memref_slice %arg3[%run_scoped3A_36, %add3A, %run_scoped3A_37, %dma_wait3A_117, %dma_wait3A_118] : memref<2x32x10x10x100xi32, #tpu.memory_space<hbm>> -> memref<1x1x1x10x100xi32, #tpu.memory_space<hbm>>
      %dma_wait3A_120 = tpu.memref_squeeze %dma_wait3A_119 : memref<1x1x1x10x100xi32, #tpu.memory_space<hbm>> -> memref<10x100xi32, #tpu.memory_space<hbm>>
      tpu.wait_dma2 semaphore(%run_scoped3A_88 : memref<!tpu.dma_semaphore, #tpu.memory_space<semaphore_mem>>) src(%dma_wait3A_120 : memref<10x100xi32, #tpu.memory_space<hbm>>) dst(%dma_wait3A_116 : memref<10x100xi32, #tpu.memory_space<vmem>>)
      tpu.yield
    }) : () -> ()
    %run_scoped3A_39 = arith.constant 1 : i32
    %run_scoped3A_40 = arith.constant 0 : i32
    %run_scoped3A_41 = arith.constant 0 : i32
    "tpu.region"() ({
      %run_scoped3A_88 = tpu.sem_alloc : memref<!tpu.dma_semaphore, #tpu.memory_space<semaphore_mem>>
      %dma_start3A_89 = arith.constant 0 : i32
      %dma_start3A_90 = arith.constant 0 : i32
      %dma_start3A_91 = tpu.memref_slice %arg7[%run_scoped3A_41, %dma_start3A_89, %dma_start3A_90] : memref<2x10x100xi32, #tpu.memory_space<vmem>> -> memref<1x10x100xi32, #tpu.memory_space<vmem>>
      %dma_start3A_92 = tpu.memref_squeeze %dma_start3A_91 : memref<1x10x100xi32, #tpu.memory_space<vmem>> -> memref<10x100xi32, #tpu.memory_space<vmem>>
      %dma_start3A_93 = arith.constant 0 : i32
      %dma_start3A_94 = arith.constant 0 : i32
      %dma_start3A_95 = tpu.memref_slice %arg3[%run_scoped3A_39, %add3A, %run_scoped3A_40, %dma_start3A_93, %dma_start3A_94] : memref<2x32x10x10x100xi32, #tpu.memory_space<hbm>> -> memref<1x1x1x10x100xi32, #tpu.memory_space<hbm>>
      %dma_start3A_96 = tpu.memref_squeeze %dma_start3A_95 : memref<1x1x1x10x100xi32, #tpu.memory_space<hbm>> -> memref<10x100xi32, #tpu.memory_space<hbm>>
      %dma_start3A_97 = arith.constant 0 : i32
      %dma_start3A_98 = arith.constant 0 : i32
      %dma_start3A_99 = tpu.memref_slice %arg7[%run_scoped3A_41, %dma_start3A_97, %dma_start3A_98] : memref<2x10x100xi32, #tpu.memory_space<vmem>> -> memref<1x10x100xi32, #tpu.memory_space<vmem>>
      %dma_start3A_100 = tpu.memref_squeeze %dma_start3A_99 : memref<1x10x100xi32, #tpu.memory_space<vmem>> -> memref<10x100xi32, #tpu.memory_space<vmem>>
      %dma_start3A_101 = arith.constant 0 : i32
      %dma_start3A_102 = arith.constant 0 : i32
      %dma_start3A_103 = tpu.memref_slice %arg3[%run_scoped3A_39, %add3A, %run_scoped3A_40, %dma_start3A_101, %dma_start3A_102] : memref<2x32x10x10x100xi32, #tpu.memory_space<hbm>> -> memref<1x1x1x10x100xi32, #tpu.memory_space<hbm>>
      %dma_start3A_104 = tpu.memref_squeeze %dma_start3A_103 : memref<1x1x1x10x100xi32, #tpu.memory_space<hbm>> -> memref<10x100xi32, #tpu.memory_space<hbm>>
      tpu.enqueue_dma source(%dma_start3A_104 : memref<10x100xi32, #tpu.memory_space<hbm>>) target(%dma_start3A_100 : memref<10x100xi32, #tpu.memory_space<vmem>>) target_semaphore(%run_scoped3A_88 : memref<!tpu.dma_semaphore, #tpu.memory_space<semaphore_mem>>)
      %dma_wait3A_105 = arith.constant 0 : i32
      %dma_wait3A_106 = arith.constant 0 : i32
      %dma_wait3A_107 = tpu.memref_slice %arg7[%run_scoped3A_41, %dma_wait3A_105, %dma_wait3A_106] : memref<2x10x100xi32, #tpu.memory_space<vmem>> -> memref<1x10x100xi32, #tpu.memory_space<vmem>>
      %dma_wait3A_108 = tpu.memref_squeeze %dma_wait3A_107 : memref<1x10x100xi32, #tpu.memory_space<vmem>> -> memref<10x100xi32, #tpu.memory_space<vmem>>
      %dma_wait3A_109 = arith.constant 0 : i32
      %dma_wait3A_110 = arith.constant 0 : i32
      %dma_wait3A_111 = tpu.memref_slice %arg3[%run_scoped3A_39, %add3A, %run_scoped3A_40, %dma_wait3A_109, %dma_wait3A_110] : memref<2x32x10x10x100xi32, #tpu.memory_space<hbm>> -> memref<1x1x1x10x100xi32, #tpu.memory_space<hbm>>
      %dma_wait3A_112 = tpu.memref_squeeze %dma_wait3A_111 : memref<1x1x1x10x100xi32, #tpu.memory_space<hbm>> -> memref<10x100xi32, #tpu.memory_space<hbm>>
      %dma_wait3A_113 = arith.constant 0 : i32
      %dma_wait3A_114 = arith.constant 0 : i32
      %dma_wait3A_115 = tpu.memref_slice %arg7[%run_scoped3A_41, %dma_wait3A_113, %dma_wait3A_114] : memref<2x10x100xi32, #tpu.memory_space<vmem>> -> memref<1x10x100xi32, #tpu.memory_space<vmem>>
      %dma_wait3A_116 = tpu.memref_squeeze %dma_wait3A_115 : memref<1x10x100xi32, #tpu.memory_space<vmem>> -> memref<10x100xi32, #tpu.memory_space<vmem>>
      %dma_wait3A_117 = arith.constant 0 : i32
      %dma_wait3A_118 = arith.constant 0 : i32
      %dma_wait3A_119 = tpu.memref_slice %arg3[%run_scoped3A_39, %add3A, %run_scoped3A_40, %dma_wait3A_117, %dma_wait3A_118] : memref<2x32x10x10x100xi32, #tpu.memory_space<hbm>> -> memref<1x1x1x10x100xi32, #tpu.memory_space<hbm>>
      %dma_wait3A_120 = tpu.memref_squeeze %dma_wait3A_119 : memref<1x1x1x10x100xi32, #tpu.memory_space<hbm>> -> memref<10x100xi32, #tpu.memory_space<hbm>>
      tpu.wait_dma2 semaphore(%run_scoped3A_88 : memref<!tpu.dma_semaphore, #tpu.memory_space<semaphore_mem>>) src(%dma_wait3A_120 : memref<10x100xi32, #tpu.memory_space<hbm>>) dst(%dma_wait3A_116 : memref<10x100xi32, #tpu.memory_space<vmem>>)
      tpu.yield
    }) : () -> ()
    %dma_start3A = arith.constant 0 : i32
    %dma_start3A_42 = arith.constant 0 : i32
    %dma_start3A_43 = arith.constant 0 : i32
    %dma_start3A_44 = arith.constant 0 : i32
    %dma_start3A_45 = arith.constant 0 : i32
    %dma_start3A_46 = tpu.memref_slice %arg8[%dma_start3A_43, %dma_start3A_44, %dma_start3A_45] : memref<3x100x128xf32, #tpu.memory_space<vmem>> -> memref<1x100x128xf32, #tpu.memory_space<vmem>>
    %dma_start3A_47 = tpu.memref_squeeze %dma_start3A_46 : memref<1x100x128xf32, #tpu.memory_space<vmem>> -> memref<100x128xf32, #tpu.memory_space<vmem>>
    %dma_start3A_48 = arith.constant 0 : i32
    %dma_start3A_49 = tpu.memref_slice %arg6[%dma_start3A, %dma_start3A_42, %dma_start3A_48] : memref<2x10x100xi32, #tpu.memory_space<vmem>> -> memref<1x1x100xi32, #tpu.memory_space<vmem>>
    %dma_start3A_50 = tpu.memref_squeeze %dma_start3A_49 : memref<1x1x100xi32, #tpu.memory_space<vmem>> -> memref<100xi32, #tpu.memory_space<vmem>>
    %dma_start3A_51 = arith.constant 0 : i32
    %dma_start3A_52 = arith.constant 0 : i32
    %dma_start3A_53 = tpu.memref_slice %arg2[%dma_start3A_51, %dma_start3A_52] : memref<10000x128xf32, #tpu.memory_space<hbm>> -> memref<10000x128xf32, #tpu.memory_space<hbm>>
    tpu.enqueue_indirect_dma source(%dma_start3A_53 : memref<10000x128xf32, #tpu.memory_space<hbm>>) target(%dma_start3A_47 : memref<100x128xf32, #tpu.memory_space<vmem>>) offsets(%dma_start3A_50 : memref<100xi32, #tpu.memory_space<vmem>>) semaphore(%arg10 : memref<!tpu.dma_semaphore, #tpu.memory_space<semaphore_mem>>)
    %scan3A = arith.constant 0 : i32
    %scan3A_54 = arith.constant 100 : i32
    %scan3A_55 = arith.addi %scan3A, %scan3A_54 : i32
    %scan3A_56 = arith.constant 1 : i32
    scf.for %scan3A_88 = %scan3A to %scan3A_55 step %scan3A_56  : i32 {
      %mul3A_89 = arith.constant 1 : i32
      %mul3A_90 = arith.muli %scan3A_88, %mul3A_89 : i32
      %add3A_91 = arith.constant 0 : i32
      %add3A_92 = arith.addi %add3A_91, %mul3A_90 : i32
      %div3A = arith.constant 10 : i32
      %div3A_93 = arith.divsi %add3A_92, %div3A : i32
      %rem3A = arith.constant 2 : i32
      %rem3A_94 = arith.remsi %div3A_93, %rem3A : i32
      %mul3A_95 = arith.constant 10 : i32
      %mul3A_96 = arith.muli %div3A_93, %mul3A_95 : i32
      %sub3A = arith.subi %add3A_92, %mul3A_96 : i32
      %add3A_97 = arith.constant 1 : i32
      %add3A_98 = arith.addi %add3A_92, %add3A_97 : i32
      %div3A_99 = arith.constant 10 : i32
      %div3A_100 = arith.divsi %add3A_98, %div3A_99 : i32
      %rem3A_101 = arith.constant 2 : i32
      %rem3A_102 = arith.remsi %div3A_100, %rem3A_101 : i32
      %mul3A_103 = arith.constant 10 : i32
      %mul3A_104 = arith.muli %div3A_100, %mul3A_103 : i32
      %sub3A_105 = arith.subi %add3A_98, %mul3A_104 : i32
      %rem3A_106 = arith.constant 3 : i32
      %rem3A_107 = arith.remsi %add3A_92, %rem3A_106 : i32
      %rem3A_108 = arith.constant 3 : i32
      %rem3A_109 = arith.remsi %add3A_98, %rem3A_108 : i32
      %eq3A = arith.constant 2 : i32
      %eq3A_110 = arith.cmpi eq, %sub3A, %eq3A : i32
      %add3A_111 = arith.constant 1 : i32
      %add3A_112 = arith.addi %div3A_93, %add3A_111 : i32
      %lt3A = arith.constant 10 : i32
      %lt3A_113 = arith.cmpi slt, %add3A_112, %lt3A : i32
      %and3A = arith.andi %eq3A_110, %lt3A_113 : i1
      %convert_element_type3A = arith.extui %and3A : i1 to i32
      %cond3A = arith.constant 0 : i32
      %cond3A_114 = arith.cmpi ne, %convert_element_type3A, %cond3A : i32
      scf.if %cond3A_114 {
        %add3A_152 = arith.constant 1 : i32
        %add3A_153 = arith.addi %div3A_93, %add3A_152 : i32
        %rem3A_154 = arith.constant 2 : i32
        %rem3A_155 = arith.remsi %add3A_153, %rem3A_154 : i32
        %dma_start3A_156 = arith.constant 0 : i32
        %dma_start3A_157 = arith.constant 0 : i32
        %dma_start3A_158 = arith.constant 0 : i32
        %dma_start3A_159 = tpu.memref_slice %arg6[%rem3A_155, %dma_start3A_157, %dma_start3A_158] : memref<2x10x100xi32, #tpu.memory_space<vmem>> -> memref<1x10x100xi32, #tpu.memory_space<vmem>>
        %dma_start3A_160 = tpu.memref_squeeze %dma_start3A_159 : memref<1x10x100xi32, #tpu.memory_space<vmem>> -> memref<10x100xi32, #tpu.memory_space<vmem>>
        %dma_start3A_161 = arith.constant 0 : i32
        %dma_start3A_162 = arith.constant 0 : i32
        %dma_start3A_163 = tpu.memref_slice %arg3[%dma_start3A_156, %add3A, %add3A_153, %dma_start3A_161, %dma_start3A_162] : memref<2x32x10x10x100xi32, #tpu.memory_space<hbm>> -> memref<1x1x1x10x100xi32, #tpu.memory_space<hbm>>
        %dma_start3A_164 = tpu.memref_squeeze %dma_start3A_163 : memref<1x1x1x10x100xi32, #tpu.memory_space<hbm>> -> memref<10x100xi32, #tpu.memory_space<hbm>>
        %dma_start3A_165 = arith.constant 0 : i32
        %dma_start3A_166 = arith.constant 0 : i32
        %dma_start3A_167 = tpu.memref_slice %arg6[%rem3A_155, %dma_start3A_165, %dma_start3A_166] : memref<2x10x100xi32, #tpu.memory_space<vmem>> -> memref<1x10x100xi32, #tpu.memory_space<vmem>>
        %dma_start3A_168 = tpu.memref_squeeze %dma_start3A_167 : memref<1x10x100xi32, #tpu.memory_space<vmem>> -> memref<10x100xi32, #tpu.memory_space<vmem>>
        %dma_start3A_169 = arith.constant 0 : i32
        %dma_start3A_170 = arith.constant 0 : i32
        %dma_start3A_171 = tpu.memref_slice %arg3[%dma_start3A_156, %add3A, %add3A_153, %dma_start3A_169, %dma_start3A_170] : memref<2x32x10x10x100xi32, #tpu.memory_space<hbm>> -> memref<1x1x1x10x100xi32, #tpu.memory_space<hbm>>
        %dma_start3A_172 = tpu.memref_squeeze %dma_start3A_171 : memref<1x1x1x10x100xi32, #tpu.memory_space<hbm>> -> memref<10x100xi32, #tpu.memory_space<hbm>>
        tpu.enqueue_dma source(%dma_start3A_172 : memref<10x100xi32, #tpu.memory_space<hbm>>) target(%dma_start3A_168 : memref<10x100xi32, #tpu.memory_space<vmem>>) target_semaphore(%arg12 : memref<!tpu.dma_semaphore, #tpu.memory_space<semaphore_mem>>)
        %dma_start3A_173 = arith.constant 1 : i32
        %dma_start3A_174 = arith.constant 0 : i32
        %dma_start3A_175 = arith.constant 0 : i32
        %dma_start3A_176 = tpu.memref_slice %arg7[%rem3A_155, %dma_start3A_174, %dma_start3A_175] : memref<2x10x100xi32, #tpu.memory_space<vmem>> -> memref<1x10x100xi32, #tpu.memory_space<vmem>>
        %dma_start3A_177 = tpu.memref_squeeze %dma_start3A_176 : memref<1x10x100xi32, #tpu.memory_space<vmem>> -> memref<10x100xi32, #tpu.memory_space<vmem>>
        %dma_start3A_178 = arith.constant 0 : i32
        %dma_start3A_179 = arith.constant 0 : i32
        %dma_start3A_180 = tpu.memref_slice %arg3[%dma_start3A_173, %add3A, %add3A_153, %dma_start3A_178, %dma_start3A_179] : memref<2x32x10x10x100xi32, #tpu.memory_space<hbm>> -> memref<1x1x1x10x100xi32, #tpu.memory_space<hbm>>
        %dma_start3A_181 = tpu.memref_squeeze %dma_start3A_180 : memref<1x1x1x10x100xi32, #tpu.memory_space<hbm>> -> memref<10x100xi32, #tpu.memory_space<hbm>>
        %dma_start3A_182 = arith.constant 0 : i32
        %dma_start3A_183 = arith.constant 0 : i32
        %dma_start3A_184 = tpu.memref_slice %arg7[%rem3A_155, %dma_start3A_182, %dma_start3A_183] : memref<2x10x100xi32, #tpu.memory_space<vmem>> -> memref<1x10x100xi32, #tpu.memory_space<vmem>>
        %dma_start3A_185 = tpu.memref_squeeze %dma_start3A_184 : memref<1x10x100xi32, #tpu.memory_space<vmem>> -> memref<10x100xi32, #tpu.memory_space<vmem>>
        %dma_start3A_186 = arith.constant 0 : i32
        %dma_start3A_187 = arith.constant 0 : i32
        %dma_start3A_188 = tpu.memref_slice %arg3[%dma_start3A_173, %add3A, %add3A_153, %dma_start3A_186, %dma_start3A_187] : memref<2x32x10x10x100xi32, #tpu.memory_space<hbm>> -> memref<1x1x1x10x100xi32, #tpu.memory_space<hbm>>
        %dma_start3A_189 = tpu.memref_squeeze %dma_start3A_188 : memref<1x1x1x10x100xi32, #tpu.memory_space<hbm>> -> memref<10x100xi32, #tpu.memory_space<hbm>>
        tpu.enqueue_dma source(%dma_start3A_189 : memref<10x100xi32, #tpu.memory_space<hbm>>) target(%dma_start3A_185 : memref<10x100xi32, #tpu.memory_space<vmem>>) target_semaphore(%arg12 : memref<!tpu.dma_semaphore, #tpu.memory_space<semaphore_mem>>)
      } else {
      }
      %ge3A = arith.constant 2 : i32
      %ge3A_115 = arith.cmpi sge, %add3A_92, %ge3A : i32
      %convert_element_type3A_116 = arith.extui %ge3A_115 : i1 to i32
      %cond3A_117 = arith.constant 0 : i32
      %cond3A_118 = arith.cmpi ne, %convert_element_type3A_116, %cond3A_117 : i32
      scf.if %cond3A_118 {
        %dma_wait3A_152 = arith.constant 0 : i32
        %dma_wait3A_153 = arith.constant 0 : i32
        %dma_wait3A_154 = tpu.memref_slice %arg8[%rem3A_109, %dma_wait3A_152, %dma_wait3A_153] : memref<3x100x128xf32, #tpu.memory_space<vmem>> -> memref<1x100x128xf32, #tpu.memory_space<vmem>>
        %dma_wait3A_155 = tpu.memref_squeeze %dma_wait3A_154 : memref<1x100x128xf32, #tpu.memory_space<vmem>> -> memref<100x128xf32, #tpu.memory_space<vmem>>
        %dma_wait3A_156 = arith.constant 0 : i32
        %dma_wait3A_157 = tpu.memref_slice %arg7[%rem3A_94, %sub3A, %dma_wait3A_156] : memref<2x10x100xi32, #tpu.memory_space<vmem>> -> memref<1x1x100xi32, #tpu.memory_space<vmem>>
        %dma_wait3A_158 = tpu.memref_squeeze %dma_wait3A_157 : memref<1x1x100xi32, #tpu.memory_space<vmem>> -> memref<100xi32, #tpu.memory_space<vmem>>
        %dma_wait3A_159 = arith.constant 0 : i32
        %dma_wait3A_160 = arith.constant 0 : i32
        %dma_wait3A_161 = tpu.memref_slice %arg9[%dma_wait3A_159, %dma_wait3A_160] : memref<10112x128xf32, #tpu.memory_space<vmem_shared>> -> memref<10112x128xf32, #tpu.memory_space<vmem_shared>>
        tpu.wait_indirect_dma semaphore(%arg11 : memref<!tpu.dma_semaphore, #tpu.memory_space<semaphore_mem>>) src(%dma_wait3A_155 : memref<100x128xf32, #tpu.memory_space<vmem>>) dst(%dma_wait3A_161 : memref<10112x128xf32, #tpu.memory_space<vmem_shared>>)
      } else {
      }
      %eq3A_119 = arith.constant 0 : i32
      %eq3A_120 = arith.cmpi eq, %sub3A_105, %eq3A_119 : i32
      %lt3A_121 = arith.constant 100 : i32
      %lt3A_122 = arith.cmpi slt, %add3A_98, %lt3A_121 : i32
      %and3A_123 = arith.andi %eq3A_120, %lt3A_122 : i1
      %convert_element_type3A_124 = arith.extui %and3A_123 : i1 to i32
      %cond3A_125 = arith.constant 0 : i32
      %cond3A_126 = arith.cmpi ne, %convert_element_type3A_124, %cond3A_125 : i32
      scf.if %cond3A_126 {
        %dma_wait3A_152 = arith.constant 0 : i32
        %dma_wait3A_153 = arith.constant 0 : i32
        %dma_wait3A_154 = arith.constant 0 : i32
        %dma_wait3A_155 = arith.constant 0 : i32
        %dma_wait3A_156 = arith.constant 0 : i32
        %dma_wait3A_157 = tpu.memref_slice %arg6[%dma_wait3A_154, %dma_wait3A_155, %dma_wait3A_156] : memref<2x10x100xi32, #tpu.memory_space<vmem>> -> memref<1x10x100xi32, #tpu.memory_space<vmem>>
        %dma_wait3A_158 = tpu.memref_squeeze %dma_wait3A_157 : memref<1x10x100xi32, #tpu.memory_space<vmem>> -> memref<10x100xi32, #tpu.memory_space<vmem>>
        %dma_wait3A_159 = arith.constant 0 : i32
        %dma_wait3A_160 = arith.constant 0 : i32
        %dma_wait3A_161 = tpu.memref_slice %arg3[%dma_wait3A_152, %add3A, %dma_wait3A_153, %dma_wait3A_159, %dma_wait3A_160] : memref<2x32x10x10x100xi32, #tpu.memory_space<hbm>> -> memref<1x1x1x10x100xi32, #tpu.memory_space<hbm>>
        %dma_wait3A_162 = tpu.memref_squeeze %dma_wait3A_161 : memref<1x1x1x10x100xi32, #tpu.memory_space<hbm>> -> memref<10x100xi32, #tpu.memory_space<hbm>>
        %dma_wait3A_163 = arith.constant 0 : i32
        %dma_wait3A_164 = arith.constant 0 : i32
        %dma_wait3A_165 = tpu.memref_slice %arg6[%dma_wait3A_154, %dma_wait3A_163, %dma_wait3A_164] : memref<2x10x100xi32, #tpu.memory_space<vmem>> -> memref<1x10x100xi32, #tpu.memory_space<vmem>>
        %dma_wait3A_166 = tpu.memref_squeeze %dma_wait3A_165 : memref<1x10x100xi32, #tpu.memory_space<vmem>> -> memref<10x100xi32, #tpu.memory_space<vmem>>
        %dma_wait3A_167 = arith.constant 0 : i32
        %dma_wait3A_168 = arith.constant 0 : i32
        %dma_wait3A_169 = tpu.memref_slice %arg3[%dma_wait3A_152, %add3A, %dma_wait3A_153, %dma_wait3A_167, %dma_wait3A_168] : memref<2x32x10x10x100xi32, #tpu.memory_space<hbm>> -> memref<1x1x1x10x100xi32, #tpu.memory_space<hbm>>
        %dma_wait3A_170 = tpu.memref_squeeze %dma_wait3A_169 : memref<1x1x1x10x100xi32, #tpu.memory_space<hbm>> -> memref<10x100xi32, #tpu.memory_space<hbm>>
        tpu.wait_dma2 semaphore(%arg12 : memref<!tpu.dma_semaphore, #tpu.memory_space<semaphore_mem>>) src(%dma_wait3A_170 : memref<10x100xi32, #tpu.memory_space<hbm>>) dst(%dma_wait3A_166 : memref<10x100xi32, #tpu.memory_space<vmem>>)
        %dma_wait3A_171 = arith.constant 1 : i32
        %dma_wait3A_172 = arith.constant 0 : i32
        %dma_wait3A_173 = arith.constant 0 : i32
        %dma_wait3A_174 = arith.constant 0 : i32
        %dma_wait3A_175 = arith.constant 0 : i32
        %dma_wait3A_176 = tpu.memref_slice %arg7[%dma_wait3A_173, %dma_wait3A_174, %dma_wait3A_175] : memref<2x10x100xi32, #tpu.memory_space<vmem>> -> memref<1x10x100xi32, #tpu.memory_space<vmem>>
        %dma_wait3A_177 = tpu.memref_squeeze %dma_wait3A_176 : memref<1x10x100xi32, #tpu.memory_space<vmem>> -> memref<10x100xi32, #tpu.memory_space<vmem>>
        %dma_wait3A_178 = arith.constant 0 : i32
        %dma_wait3A_179 = arith.constant 0 : i32
        %dma_wait3A_180 = tpu.memref_slice %arg3[%dma_wait3A_171, %add3A, %dma_wait3A_172, %dma_wait3A_178, %dma_wait3A_179] : memref<2x32x10x10x100xi32, #tpu.memory_space<hbm>> -> memref<1x1x1x10x100xi32, #tpu.memory_space<hbm>>
        %dma_wait3A_181 = tpu.memref_squeeze %dma_wait3A_180 : memref<1x1x1x10x100xi32, #tpu.memory_space<hbm>> -> memref<10x100xi32, #tpu.memory_space<hbm>>
        %dma_wait3A_182 = arith.constant 0 : i32
        %dma_wait3A_183 = arith.constant 0 : i32
        %dma_wait3A_184 = tpu.memref_slice %arg7[%dma_wait3A_173, %dma_wait3A_182, %dma_wait3A_183] : memref<2x10x100xi32, #tpu.memory_space<vmem>> -> memref<1x10x100xi32, #tpu.memory_space<vmem>>
        %dma_wait3A_185 = tpu.memref_squeeze %dma_wait3A_184 : memref<1x10x100xi32, #tpu.memory_space<vmem>> -> memref<10x100xi32, #tpu.memory_space<vmem>>
        %dma_wait3A_186 = arith.constant 0 : i32
        %dma_wait3A_187 = arith.constant 0 : i32
        %dma_wait3A_188 = tpu.memref_slice %arg3[%dma_wait3A_171, %add3A, %dma_wait3A_172, %dma_wait3A_186, %dma_wait3A_187] : memref<2x32x10x10x100xi32, #tpu.memory_space<hbm>> -> memref<1x1x1x10x100xi32, #tpu.memory_space<hbm>>
        %dma_wait3A_189 = tpu.memref_squeeze %dma_wait3A_188 : memref<1x1x1x10x100xi32, #tpu.memory_space<hbm>> -> memref<10x100xi32, #tpu.memory_space<hbm>>
        tpu.wait_dma2 semaphore(%arg12 : memref<!tpu.dma_semaphore, #tpu.memory_space<semaphore_mem>>) src(%dma_wait3A_189 : memref<10x100xi32, #tpu.memory_space<hbm>>) dst(%dma_wait3A_185 : memref<10x100xi32, #tpu.memory_space<vmem>>)
      } else {
      }
      %lt3A_127 = arith.constant 100 : i32
      %lt3A_128 = arith.cmpi slt, %add3A_98, %lt3A_127 : i32
      %convert_element_type3A_129 = arith.extui %lt3A_128 : i1 to i32
      %cond3A_130 = arith.constant 0 : i32
      %cond3A_131 = arith.cmpi ne, %convert_element_type3A_129, %cond3A_130 : i32
      scf.if %cond3A_131 {
        %dma_start3A_152 = arith.constant 0 : i32
        %dma_start3A_153 = arith.constant 0 : i32
        %dma_start3A_154 = tpu.memref_slice %arg8[%rem3A_109, %dma_start3A_152, %dma_start3A_153] : memref<3x100x128xf32, #tpu.memory_space<vmem>> -> memref<1x100x128xf32, #tpu.memory_space<vmem>>
        %dma_start3A_155 = tpu.memref_squeeze %dma_start3A_154 : memref<1x100x128xf32, #tpu.memory_space<vmem>> -> memref<100x128xf32, #tpu.memory_space<vmem>>
        %dma_start3A_156 = arith.constant 0 : i32
        %dma_start3A_157 = tpu.memref_slice %arg6[%rem3A_102, %sub3A_105, %dma_start3A_156] : memref<2x10x100xi32, #tpu.memory_space<vmem>> -> memref<1x1x100xi32, #tpu.memory_space<vmem>>
        %dma_start3A_158 = tpu.memref_squeeze %dma_start3A_157 : memref<1x1x100xi32, #tpu.memory_space<vmem>> -> memref<100xi32, #tpu.memory_space<vmem>>
        %dma_start3A_159 = arith.constant 0 : i32
        %dma_start3A_160 = arith.constant 0 : i32
        %dma_start3A_161 = tpu.memref_slice %arg2[%dma_start3A_159, %dma_start3A_160] : memref<10000x128xf32, #tpu.memory_space<hbm>> -> memref<10000x128xf32, #tpu.memory_space<hbm>>
        tpu.enqueue_indirect_dma source(%dma_start3A_161 : memref<10000x128xf32, #tpu.memory_space<hbm>>) target(%dma_start3A_155 : memref<100x128xf32, #tpu.memory_space<vmem>>) offsets(%dma_start3A_158 : memref<100xi32, #tpu.memory_space<vmem>>) semaphore(%arg10 : memref<!tpu.dma_semaphore, #tpu.memory_space<semaphore_mem>>)
      } else {
      }
      %dma_wait3A_132 = arith.constant 0 : i32
      %dma_wait3A_133 = arith.constant 0 : i32
      %dma_wait3A_134 = tpu.memref_slice %arg8[%rem3A_107, %dma_wait3A_132, %dma_wait3A_133] : memref<3x100x128xf32, #tpu.memory_space<vmem>> -> memref<1x100x128xf32, #tpu.memory_space<vmem>>
      %dma_wait3A_135 = tpu.memref_squeeze %dma_wait3A_134 : memref<1x100x128xf32, #tpu.memory_space<vmem>> -> memref<100x128xf32, #tpu.memory_space<vmem>>
      %dma_wait3A_136 = arith.constant 0 : i32
      %dma_wait3A_137 = tpu.memref_slice %arg6[%rem3A_94, %sub3A, %dma_wait3A_136] : memref<2x10x100xi32, #tpu.memory_space<vmem>> -> memref<1x1x100xi32, #tpu.memory_space<vmem>>
      %dma_wait3A_138 = tpu.memref_squeeze %dma_wait3A_137 : memref<1x1x100xi32, #tpu.memory_space<vmem>> -> memref<100xi32, #tpu.memory_space<vmem>>
      %dma_wait3A_139 = arith.constant 0 : i32
      %dma_wait3A_140 = arith.constant 0 : i32
      %dma_wait3A_141 = tpu.memref_slice %arg2[%dma_wait3A_139, %dma_wait3A_140] : memref<10000x128xf32, #tpu.memory_space<hbm>> -> memref<10000x128xf32, #tpu.memory_space<hbm>>
      tpu.wait_indirect_dma semaphore(%arg10 : memref<!tpu.dma_semaphore, #tpu.memory_space<semaphore_mem>>) src(%dma_wait3A_141 : memref<10000x128xf32, #tpu.memory_space<hbm>>) dst(%dma_wait3A_135 : memref<100x128xf32, #tpu.memory_space<vmem>>)
      %dma_start3A_142 = arith.constant 0 : i32
      %dma_start3A_143 = arith.constant 0 : i32
      %dma_start3A_144 = tpu.memref_slice %arg8[%rem3A_107, %dma_start3A_142, %dma_start3A_143] : memref<3x100x128xf32, #tpu.memory_space<vmem>> -> memref<1x100x128xf32, #tpu.memory_space<vmem>>
      %dma_start3A_145 = tpu.memref_squeeze %dma_start3A_144 : memref<1x100x128xf32, #tpu.memory_space<vmem>> -> memref<100x128xf32, #tpu.memory_space<vmem>>
      %dma_start3A_146 = arith.constant 0 : i32
      %dma_start3A_147 = tpu.memref_slice %arg7[%rem3A_94, %sub3A, %dma_start3A_146] : memref<2x10x100xi32, #tpu.memory_space<vmem>> -> memref<1x1x100xi32, #tpu.memory_space<vmem>>
      %dma_start3A_148 = tpu.memref_squeeze %dma_start3A_147 : memref<1x1x100xi32, #tpu.memory_space<vmem>> -> memref<100xi32, #tpu.memory_space<vmem>>
      %dma_start3A_149 = arith.constant 0 : i32
      %dma_start3A_150 = arith.constant 0 : i32
      %dma_start3A_151 = tpu.memref_slice %arg9[%dma_start3A_149, %dma_start3A_150] : memref<10112x128xf32, #tpu.memory_space<vmem_shared>> -> memref<10112x128xf32, #tpu.memory_space<vmem_shared>>
      tpu.enqueue_indirect_dma source(%dma_start3A_145 : memref<100x128xf32, #tpu.memory_space<vmem>>) target(%dma_start3A_151 : memref<10112x128xf32, #tpu.memory_space<vmem_shared>>) offsets(%dma_start3A_148 : memref<100xi32, #tpu.memory_space<vmem>>) semaphore(%arg11 : memref<!tpu.dma_semaphore, #tpu.memory_space<semaphore_mem>>) {add = true}
    }
    %scan3A_57 = arith.constant 100 : i32
    %dma_wait3A = arith.constant 0 : i32
    %dma_wait3A_58 = arith.constant 0 : i32
    %dma_wait3A_59 = arith.constant 0 : i32
    %dma_wait3A_60 = arith.constant 0 : i32
    %dma_wait3A_61 = arith.constant 0 : i32
    %dma_wait3A_62 = tpu.memref_slice %arg8[%dma_wait3A, %dma_wait3A_60, %dma_wait3A_61] : memref<3x100x128xf32, #tpu.memory_space<vmem>> -> memref<1x100x128xf32, #tpu.memory_space<vmem>>
    %dma_wait3A_63 = tpu.memref_squeeze %dma_wait3A_62 : memref<1x100x128xf32, #tpu.memory_space<vmem>> -> memref<100x128xf32, #tpu.memory_space<vmem>>
    %dma_wait3A_64 = arith.constant 0 : i32
    %dma_wait3A_65 = tpu.memref_slice %arg7[%dma_wait3A_58, %dma_wait3A_59, %dma_wait3A_64] : memref<2x10x100xi32, #tpu.memory_space<vmem>> -> memref<1x1x100xi32, #tpu.memory_space<vmem>>
    %dma_wait3A_66 = tpu.memref_squeeze %dma_wait3A_65 : memref<1x1x100xi32, #tpu.memory_space<vmem>> -> memref<100xi32, #tpu.memory_space<vmem>>
    %dma_wait3A_67 = arith.constant 0 : i32
    %dma_wait3A_68 = arith.constant 0 : i32
    %dma_wait3A_69 = tpu.memref_slice %arg9[%dma_wait3A_67, %dma_wait3A_68] : memref<10112x128xf32, #tpu.memory_space<vmem_shared>> -> memref<10112x128xf32, #tpu.memory_space<vmem_shared>>
    tpu.wait_indirect_dma semaphore(%arg11 : memref<!tpu.dma_semaphore, #tpu.memory_space<semaphore_mem>>) src(%dma_wait3A_63 : memref<100x128xf32, #tpu.memory_space<vmem>>) dst(%dma_wait3A_69 : memref<10112x128xf32, #tpu.memory_space<vmem_shared>>)
    %dma_wait3A_70 = arith.constant 1 : i32
    %dma_wait3A_71 = arith.constant 0 : i32
    %dma_wait3A_72 = arith.constant 0 : i32
    %dma_wait3A_73 = arith.constant 0 : i32
    %dma_wait3A_74 = arith.constant 0 : i32
    %dma_wait3A_75 = tpu.memref_slice %arg8[%dma_wait3A_70, %dma_wait3A_73, %dma_wait3A_74] : memref<3x100x128xf32, #tpu.memory_space<vmem>> -> memref<1x100x128xf32, #tpu.memory_space<vmem>>
    %dma_wait3A_76 = tpu.memref_squeeze %dma_wait3A_75 : memref<1x100x128xf32, #tpu.memory_space<vmem>> -> memref<100x128xf32, #tpu.memory_space<vmem>>
    %dma_wait3A_77 = arith.constant 0 : i32
    %dma_wait3A_78 = tpu.memref_slice %arg7[%dma_wait3A_71, %dma_wait3A_72, %dma_wait3A_77] : memref<2x10x100xi32, #tpu.memory_space<vmem>> -> memref<1x1x100xi32, #tpu.memory_space<vmem>>
    %dma_wait3A_79 = tpu.memref_squeeze %dma_wait3A_78 : memref<1x1x100xi32, #tpu.memory_space<vmem>> -> memref<100xi32, #tpu.memory_space<vmem>>
    %dma_wait3A_80 = arith.constant 0 : i32
    %dma_wait3A_81 = arith.constant 0 : i32
    %dma_wait3A_82 = tpu.memref_slice %arg9[%dma_wait3A_80, %dma_wait3A_81] : memref<10112x128xf32, #tpu.memory_space<vmem_shared>> -> memref<10112x128xf32, #tpu.memory_space<vmem_shared>>
    tpu.wait_indirect_dma semaphore(%arg11 : memref<!tpu.dma_semaphore, #tpu.memory_space<semaphore_mem>>) src(%dma_wait3A_76 : memref<100x128xf32, #tpu.memory_space<vmem>>) dst(%dma_wait3A_82 : memref<10112x128xf32, #tpu.memory_space<vmem_shared>>)
    %barrier3A_83 = arith.constant 0 : index
    tpu.barrier barrier_id(%barrier3A_83)
    %mul3A_84 = arith.constant 632 : i32
    %mul3A_85 = arith.muli %arg1, %mul3A_84 : i32
    %mul3A_86 = arith.constant 632 : i32
    %mul3A_87 = arith.muli %arg1, %mul3A_86 : i32
    "tpu.region"() ({
      %run_scoped3A_88 = tpu.sem_alloc : memref<!tpu.dma_semaphore, #tpu.memory_space<semaphore_mem>>
      %dma_start3A_89 = arith.constant 0 : i32
      %dma_start3A_90 = tpu.memref_slice %arg5[%arg0, %mul3A_87, %dma_start3A_89] : memref<2x10112x128xf32, #tpu.memory_space<hbm>> -> memref<1x632x128xf32, #tpu.memory_space<hbm>>
      %dma_start3A_91 = tpu.memref_squeeze %dma_start3A_90 : memref<1x632x128xf32, #tpu.memory_space<hbm>> -> memref<632x128xf32, #tpu.memory_space<hbm>>
      %dma_start3A_92 = arith.constant 0 : i32
      %dma_start3A_93 = tpu.memref_slice %arg9[%mul3A_85, %dma_start3A_92] : memref<10112x128xf32, #tpu.memory_space<vmem_shared>> -> memref<632x128xf32, #tpu.memory_space<vmem_shared>>
      tpu.enqueue_dma source(%dma_start3A_93 : memref<632x128xf32, #tpu.memory_space<vmem_shared>>) target(%dma_start3A_91 : memref<632x128xf32, #tpu.memory_space<hbm>>) target_semaphore(%run_scoped3A_88 : memref<!tpu.dma_semaphore, #tpu.memory_space<semaphore_mem>>)
      %dma_wait3A_94 = arith.constant 0 : i32
      %dma_wait3A_95 = tpu.memref_slice %arg5[%arg0, %mul3A_87, %dma_wait3A_94] : memref<2x10112x128xf32, #tpu.memory_space<hbm>> -> memref<1x632x128xf32, #tpu.memory_space<hbm>>
      %dma_wait3A_96 = tpu.memref_squeeze %dma_wait3A_95 : memref<1x632x128xf32, #tpu.memory_space<hbm>> -> memref<632x128xf32, #tpu.memory_space<hbm>>
      %dma_wait3A_97 = arith.constant 0 : i32
      %dma_wait3A_98 = tpu.memref_slice %arg9[%mul3A_85, %dma_wait3A_97] : memref<10112x128xf32, #tpu.memory_space<vmem_shared>> -> memref<632x128xf32, #tpu.memory_space<vmem_shared>>
      tpu.wait_dma2 semaphore(%run_scoped3A_88 : memref<!tpu.dma_semaphore, #tpu.memory_space<semaphore_mem>>) src(%dma_wait3A_98 : memref<632x128xf32, #tpu.memory_space<vmem_shared>>) dst(%dma_wait3A_96 : memref<632x128xf32, #tpu.memory_space<hbm>>)
      tpu.yield
    }) : () -> ()
    return
  }
}

</mosaic_0001>

<sc_bundles>
// kernel: _aggregate.3.cloned.1.call-start
scs
__scs_entry_jumppad:
0x0: {  	(pc) =	sbr.rel $0x88, $3  }
0x1: {  	(tag) =	ssettag $0x0;
	lr =	simm.s32 $0x1  }
0x2: {  	[smem:$0x3F9E] =	sst lr;
	_ =	strace $0xD0000000  }
0x3: {  	_ = 	snop  }
0x4: {  	_ = 	snop  }
0x5: {  	_ = 	snop  }
0x6: {  	_ = 	snop  }
0x7: {  	_ = 	snop  }
__scs_overlays_trampoline_lowered:
0x8: {  	[smem:$0x3FAD] =	sst s0  }
0x9: {  	[smem:$0x3FAE] =	sst s1  }
0xa: {  	[smem:$0x3FAF] =	sst s2  }
0xb: {  	[smem:$0x3FB0] =	sst s3  }
0xc: {  	[smem:$0x3FB1] =	sst s4  }
0xd: {  	[smem:$0x3FB2] =	sst s5  }
0xe: {  	[smem:$0x3FB3] =	sst s6  }
0xf: {  	[smem:$0x3FB4] =	sst s7  }
0x10: {  	[smem:$0x3FB5] =	sst s8  }
0x11: {  	[smem:$0x3FB6] =	sst s9;
	s0 =	simm.s32 @!p0 $0x0  }
0x12: {  	s1 =	sld [smem:$0x3F9C];
	s0 =	simm.s32 @p0 $0x1  }
0x13: {  	[smem:$0x3FB7] =	sst s0;
	s0 =	simm.s32 @!p1 $0x0  }
0x14: {  	s2 =	sld [smem:$0x3F9B];
	s0 =	simm.s32 @p1 $0x1  }
0x15: {  	[smem:$0x3FB8] =	sst s0;
	s0 =	simm.s32 @!p2 $0x0  }
0x16: {  	s3 =	sld [smem:$0x3FDB];
	s0 =	simm.s32 @p2 $0x1  }
0x17: {  	s4 =	simm.s32 $0x1BF5;
	[smem:$0x3FBA] =	sst s0  }
0x18: {  	s0 =	sld [smem:$0x3F9D];
	_ =	swait.ge [sflag:s4], $0x0  }
0x19: {  	s7 =	sld [smem:$0x3F9E]  }
0x1a: {  	s8 =	sadd.s32 $0xFFFFE003, lr  }
0x1b: {  	s9 =	sadd.s32 $0xFFFFFEF7, lr;
	s5 =	simm.s32 $0xFFFFFFFF;
	p2 =	slt.u32 s8, $0xFFFFF086  }
0x1c: {  	p1 =	slt.u32 s9, $0xF7A;
	s5 =	simm.s32 @!p2 $0x0  }
0x1d: {  	s5 =	simm.s32 @p1 $0x1;
	p0 =	seq.s32 s7, s2  }
0x1e: {  	s7 =	smul.u32 @!p0 $0xF7A, s2;
	p2 =	seq.s32 @!p0 s5, $0x0  }
0x1f: {  	s9 =	smul.u32 $0xF7A, s1;
	s8 =	simm.s32 @!p0 $0x1BF5;
	p2 =	por !p2, p0  }
0x20: {  	[sflag:s8] =	ssyncset.s32 @!p0 $0xFFFFF086;
	s6 =	sadd.s32 @!p0 s3, s7;
	s7 =	simm.s32 @!p0 $0x108  }
0x21: {  	s3 =	sadd.s32 s3, s9;
	s6 =	sadd.s32 @!p0 $0x88, s6;
	s7 =	simm.s32 @p2 $0x1082  }
0x22: {  	[simem:s7], [sflag:s8] =	dma.local @!p0 [hbm:s6], $0xF7A  }
0x23: {  	s9 =	sor.u32 $0xD0000000, s2;
	s6 =	simm.s32 $0x108;
	_ =	swait.ge @!p0 [sflag:s8], $0x0  }
0x24: {  	s3 =	sadd.s32 $0x88, s3;
	s6 =	simm.s32 @!p1 $0x1082;
	[sflag:s4] =	ssyncset.s32 $0xFFFFF086  }
0x25: {  	[simem:s6], [sflag:s4] =	dma.local [hbm:s3], $0xF7A  }
0x26: {  	[smem:$0x3F9E] =	sst s1;
	(tag) =	ssettag s2;
	_ =	strace s9  }
0x27: {  	s1 =	sld [smem:$0x3FAE]  }
0x28: {  	s2 =	sld [smem:$0x3FAF]  }
0x29: {  	s4 =	sld [smem:$0x3FB1]  }
0x2a: {  	p0 =	seq.s32 s5, $0x0;
	s5 =	sld [smem:$0x3FB2]  }
0x2b: {  	s6 =	sld [smem:$0x3FB3]  }
0x2c: {  	s7 =	sld [smem:$0x3FB4]  }
0x2d: {  	s3 =	simm.s32 $0x108;
	s8 =	sld [smem:$0x3FB5]  }
0x2e: {  	s3 =	simm.s32 @!p0 $0x1082;
	s9 =	sld [smem:$0x3FB6]  }
0x2f: {  	lr =	sadd.s32 s0, s3;
	s0 =	sld [smem:$0x3FAD]  }
0x30: {  	s3 =	sld [smem:$0x3FB0]  }
0x31: {  	[smem:$0x3FB9] =	sst s10  }
0x32: {  	s10 =	sld [smem:$0x3FB7];
	_ =	sdelay $0x3  }
0x33: {  	p0 =	seq.s32 s10, $0x1;
	s10 =	sld [smem:$0x3FB9];
	_ =	sdelay $0x3  }
0x34: {  	[smem:$0x3FB9] =	sst s10  }
0x35: {  	s10 =	sld [smem:$0x3FB8];
	_ =	sdelay $0x3  }
0x36: {  	p1 =	seq.s32 s10, $0x1;
	s10 =	sld [smem:$0x3FB9];
	_ =	sdelay $0x3  }
0x37: {  	[smem:$0x3FB9] =	sst s10  }
0x38: {  	s10 =	sld [smem:$0x3FBA]  }
0x39: {  	_ = 	snop;
	(pc) =	sbr.ind lr, $3  }
0x3a: {  	_ = 	snop  }
0x3b: {  	_ = 	snop  }
0x3c: {  	p2 =	seq.s32 s10, $0x1;
	s10 =	sld [smem:$0x3FB9]  }
0x3d: {  	_ =	shalt  }
0x3e: {  	_ =	shalt  }
0x3f: {  	_ =	shalt  }
0x40: {  	_ =	shalt  }
0x41: {  	_ =	shalt  }
0x42: {  	_ =	shalt  }
0x43: {  	_ =	shalt  }
0x44: {  	_ =	shalt  }
0x45: {  	_ =	shalt  }
0x46: {  	_ =	shalt  }
0x47: {  	_ =	shalt  }
0x48: {  	_ =	shalt  }
0x49: {  	_ =	shalt  }
0x4a: {  	_ =	shalt  }
0x4b: {  	_ =	shalt  }
0x4c: {  	_ =	shalt  }
0x4d: {  	_ =	shalt  }
0x4e: {  	_ =	shalt  }
0x4f: {  	_ =	shalt  }
0x50: {  	_ =	shalt  }
0x51: {  	_ =	shalt  }
0x52: {  	_ =	shalt  }
0x53: {  	_ =	shalt  }
0x54: {  	_ =	shalt  }
0x55: {  	_ =	shalt  }
0x56: {  	_ =	shalt  }
0x57: {  	_ =	shalt  }
0x58: {  	_ =	shalt  }
0x59: {  	_ =	shalt  }
0x5a: {  	_ =	shalt  }
0x5b: {  	_ =	shalt  }
0x5c: {  	_ =	shalt  }
0x5d: {  	_ =	shalt  }
0x5e: {  	_ =	shalt  }
0x5f: {  	_ =	shalt  }
0x60: {  	_ =	shalt  }
0x61: {  	_ =	shalt  }
0x62: {  	_ =	shalt  }
0x63: {  	_ =	shalt  }
0x64: {  	_ =	shalt  }
0x65: {  	_ =	shalt  }
0x66: {  	_ =	shalt  }
0x67: {  	_ =	shalt  }
0x68: {  	_ =	shalt  }
0x69: {  	_ =	shalt  }
0x6a: {  	_ =	shalt  }
0x6b: {  	_ =	shalt  }
0x6c: {  	_ =	shalt  }
0x6d: {  	_ =	shalt  }
0x6e: {  	_ =	shalt  }
0x6f: {  	_ =	shalt  }
0x70: {  	_ =	shalt  }
0x71: {  	_ =	shalt  }
0x72: {  	_ =	shalt  }
0x73: {  	_ =	shalt  }
0x74: {  	_ =	shalt  }
0x75: {  	_ =	shalt  }
0x76: {  	_ =	shalt  }
0x77: {  	_ =	shalt  }
0x78: {  	_ =	shalt  }
0x79: {  	_ =	shalt  }
0x7a: {  	_ =	shalt  }
0x7b: {  	_ =	shalt  }
0x7c: {  	_ =	shalt  }
0x7d: {  	_ =	shalt  }
0x7e: {  	_ =	shalt  }
0x7f: {  	_ =	shalt  }
0x80: {  	_ =	shalt  }
0x81: {  	_ =	shalt  }
0x82: {  	_ =	shalt  }
0x83: {  	_ =	shalt  }
0x84: {  	_ =	shalt  }
0x85: {  	_ =	shalt  }
0x86: {  	_ =	shalt  }
0x87: {  	_ =	shalt  }
.Lfunc_end0:
.L_simem_size_0:
called_computation_lowered:
.L_overlay_start_0:
0x88: {  	s2 =	sld [smem:$0x3FD9]  }
0x89: {  	s3 =	sld [smem:$0x3FFE];
	_ =	sdelay $0x1  }
0x8a: {  	s1 =	srdreg.scid  }
0x8b: {  	s0 =	sand.u32 $0x1, s1  }
0x8c: {  	s17 =	sshll.u32 s0, $0xA;
	s2 =	sadd.s32 s3, s2  }
0x8d: {  	s2 =	sadd.s32 s2, s17  }
0x8e: {  	[smem:$0x3FC5] =	sst s2  }
0x8f: {  	_ = 	snop  }
0x90: {  	s2 =	sld [smem:$0x3FC9]  }
0x91: {  	s18 =	sld [smem:$0x3FC7]  }
0x92: {  	s4 =	sld [smem:$0x3FD0];
	(tm) =	ssettm $0x1  }
0x93: {  	s5 =	sld [smem:$0x3FFB];
	_ =	sdelay $0x3  }
0x94: {  	_ =	strace s5  }
0x95: {  	s5 =	sld [smem:$0x3FFC];
	_ =	sdelay $0x3  }
0x96: {  	_ =	strace s5  }
0x97: {  	s5 =	sld [smem:$0x3FFD];
	_ =	sdelay $0x3  }
0x98: {  	_ =	strace s5  }
0x99: {  	_ =	strace $0x8FFFFFFF  }
0x9a: {  	s19 =	sld [smem:$0x3FDB];
	_ =	sdelay $0x1  }
0x9b: {  	s6 =	simm.s32 $_scs_section_size  }
0x9c: {  	s7 =	simm.s32 $_size__tile_overlayer_lowered;
	s8 =	simm.s32 $_tile_overlayer_lowered  }
0x9d: {  	s22 =	simm.s32 $0x1BFF;
	s21 =	sshll.u32 s8, $0x1;
	s5 =	sadd.s32 s6, s19  }
0x9e: {  	s9 =	simm.s32 $0x0;
	s20 =	sshll.u32 s7, $0x1;
	s7 =	sadd.s32 s21, s5  }
0x9f: {  	[timem:s9], [sflag:s22] =	dma.local [hbm:s7], s20  }
0xa0: {  	_ =	swait.ge [sflag:s22], s20  }
0xa1: {  	s6 =	ssub.s32 $0x0, s20;
	[sflag:s22] =	ssyncset.done $0x0  }
0xa2: {  	[sflag:s22] =	ssyncadd.s32 s6;
	_ =	sdelay $0x1  }
0xa3: {  	s23 =	simm.s32 $0x1B8B  }
0xa4: {  	_ =	swait.ge [sflag:s23], $0x1  }
0xa5: {  	[sflag:s23] =	ssyncset.done $0x0  }
0xa6: {  	s25 =	simm.s32 $0x1B8E;
	s24 =	sld [smem:$0x3FFE];
	[sflag:s23] =	ssyncadd.s32 $0xFFFFFFFF  }
0xa7: {  	s26 =	simm.s32 $execute0_lowered;
	[smem:$0x3FD2] =	sst s25  }
0xa8: {  	s7 =	sshll.u32 s26, $0x1;
	_ =	strace $0x80000046;
	[dreg:$0x1] =	wrdreg $0xFFFFFFFF  }
0xa9: {  	s28 =	simm.s32 $_size_execute0_lowered;
	s5 =	sadd.s32 s5, s7;
	[dreg:$0x0] =	wrdreg $0x0  }
0xaa: {  	s7 =	sshll.u32 s28, $0x1;
	[dreg:$0x2] =	wrdreg s5  }
0xab: {  	[dreg:$0x3] =	wrdreg s7  }
0xac: {  	[dreg:$0x4] =	wrdreg $0xC0  }
0xad: {  	_ =	task [dreg:s9], $0x5FFFF  }
0xae: {  	[dreg:$0x1] =	wrdreg $0xFFFFFFFF  }
0xaf: {  	[dreg:$0x0] =	wrdreg $0x60  }
0xb0: {  	[dreg:$0x2] =	wrdreg s2  }
0xb1: {  	[dreg:$0x3] =	wrdreg s24  }
0xb2: {  	[dreg:$0x4] =	wrdreg s18  }
0xb3: {  	[dreg:$0x5] =	wrdreg s4  }
0xb4: {  	[dreg:$0x6] =	wrdreg $0xBC000  }
0xb5: {  	[dreg:$0x7] =	wrdreg $0x9  }
0xb6: {  	_ =	task.clear_ibuf [dreg:s9], $0x8FFFF;
	_ =	strace $0x90000046  }
0xb7: {  	s29 =	simm.s32 $0x9;
	_ =	strace $0x80000048  }
0xb8: {  	_ =	swait.ge [sflag:s29], $0x1  }
0xb9: {  	[sflag:s29] =	ssyncadd.s32 $0xFFFFFFFF  }
0xba: {  	_ =	strace $0x90000048  }
0xbb: {  	_ =	sfence  }
0xbc: {  	s30 =	sld [smem:$0x0];
	_ =	sdelay $0x2  }
0xbd: {  	s31 =	sshll.u32 s1, $0xD;
	s1 =	sshrl.u32 s1, $0x2  }
0xbe: {  	s3 =	sand.u32 $0x4000, s31;
	s1 =	sadd.s32 s1, s30  }
0xbf: {  	s0 =	sor.u32 s3, s0;
	s1 =	sshll.u32 s1, $0x11  }
0xc0: {  	s0 =	sor.u32 s1, s0  }
0xc1: {  	s0 =	sadd.s32 $0x8F2B, s0  }
0xc2: {  	[sflag:s0] =	ssyncadd.remote.s32 $0x1  }
0xc3: {  	_ =	sfence.sel $0xFFFF  }
0xc4: {  	[dreg:$0x0] =	wrdreg $0xFFFFFFFF;
	(pc) =	sbr.abs _section_cstart, $3  }
0xc5: {  	[dreg:$0x1] =	wrdreg $0xFFFFFFFF  }
0xc6: {  	_ =	task.clear_ibuf [dreg:s9], $0x2FFFF;
	_ =	strace $0x9FFFFFFF  }
0xc7: {  	(tm) =	ssettm $0x7FFFFFFF  }
tec
execute0_lowered:
.L_overlay_start_1:
0x0: {  	(tag) =	ssettag $0x1  }
0x1: {  	s1 =	rddreg [dreg:$0x0]  }
0x2: {  	s0 =	rddreg [dreg:$0x1]  }
0x3: {  	s2 =	rddreg [dreg:$0x3]  }
0x4: {  	s3 =	rddreg [dreg:$0x4];
	s5 =	simm.s32 $0x0  }
0x5: {  	s4 =	srdreg.scid;
	s10 =	stileid.u32;
	s19 =	simm.s32 $0x2000  }
0x6: {  	s20 =	simm.s32 $0x4;
	s21 =	simm.s32 $0x64;
	s22 =	simm.s32 $0x3  }
0x7: {  	s23 =	simm.s32 $0x1;
	[smem:$0x7FF] =	sst s5;
	s4 =	sand.u32 $0x1, s4  }
0x8: {  	s7 =	sshll.u32 s10, $0x1;
	s8 =	smul.u32 $0x4F000, s10;
	s6 =	sadd.s32 $0x400, s0  }
0x9: {  	s28 =	smul.u32 $0x13C00, s10;
	_ =	strace $0x80000047;
	s24 =	ssub.s32 $0x2, s4  }
0xa: {  	s7 =	sor.u32 s4, s7;
	s4 =	smul.u32 $0x13C000, s4;
	s9 =	sshrl.u32 s24, $0x1  }
0xb: {  	s8 =	sshrl.u32 s8, $0x2;
	s7 =	smul.u32 $0x5000, s7;
	s0 =	ssub.s32 s24, s9  }
0xc: {  	s8 =	sadd.s32 s8, s3;
	s4 =	sadd.s32 s28, s4;
	s24 =	simm.s32 $0x2  }
0xd: {  	s25 =	sadd.s32 $0x3200, s8;
	s26 =	sadd.s32 $0x6400, s8;
	s29 =	sadd.s32 $0x9600, s8  }
.Ltmp0:
0xe: {  	s30 =	sadd.s32 $0xC800, s8;
	[dreg:$0x6] =	wrdreg s25;
	(pc) =	sbr.rel .LBB2_1-.Ltmp0, $4  }
0xf: {  	s31 =	sshrl.u32 s7, $0x3;
	s13 =	sadd.s32 $0xFA00, s8;
	[dreg:$0x7] =	wrdreg s26  }
0x10: {  	s15 =	sadd.s32 $0x12C00, s8;
	s4 =	sshrl.u32 s4, $0x3;
	[dreg:$0x8] =	wrdreg s29  }
0x11: {  	s18 =	smax.u32 s0, $0x1;
	[dreg:$0x9] =	wrdreg s30;
	s14 =	sadd.s32 s6, s31  }
0x12: {  	s17 =	sadd.s32 s2, s4;
	s25 =	simm.s32 $0x0;
	s16 =	sadd.s32 $0x14000, s14  }
.LBB2_7:
0x13: {  	_ =	swait.ge [sflag:s24], $0x3200  }
0x14: {  	[sflag:s24] =	ssyncset.done $0x0  }
0x15: {  	[sflag:s24] =	ssyncadd.s32 $0xFFFFCE00  }
0x16: {  	s0 =	stileid.u32;
	_ =	swait.ge [sflag:s24], $0x3200  }
0x17: {  	s2 =	sshrl.u32 s8, $0x3;
	s25 =	sadd.s32 $0x1, s25;
	[sflag:s24] =	ssyncset.done $0x0  }
0x18: {  	s0 =	sshll.u32 s0, $0x6;
	p0 =	sne.s32 s25, s18;
	[sflag:s24] =	ssyncadd.s32 $0xFFFFCE00  }
.Ltmp1:
0x19: {  	s0 =	sor.u32 $0x1C04, s0;
	[bflag:$0x0] =	sbarrier.arrive $0xFFFF;
	(pc) =	sbr.rel @!p0 .LBB2_8-.Ltmp1, $4  }
0x1a: {  	[hbm:s17], [sflag:s0] =	dma.local [spmem:s2], $0x2780  }
0x1b: {  	_ =	swait.ge [sflag:s20], $0x2780  }
0x1c: {  	[sflag:s20] =	ssyncset.done $0x0  }
0x1d: {  	[sflag:s20] =	ssyncadd.s32 $0xFFFFD880  }
.LBB2_1:
0x1e: {  	s0 =	rddreg [dreg:$0x2]  }
0x1f: {  	[tilespmem:s19], [sflag:$0x4] =	stream.linear.gather [hbm4b:s0+s5], $0x3200, $0x38;
	[tilespmem:$0x1F800] =	vst v63  }
0x20: {  	_ =	swait.ge [sflag:s20], $0x3200  }
0x21: {  	[sflag:s20] =	ssyncset.done $0x0  }
0x22: {  	[sflag:s20] =	ssyncadd.s32 $0xFFFFCE00  }
0x23: {  	[spmem:s8] =	stream.linear.scatter [tilespmem:s19], [sflag:$0x4], $0x3200, $0x38;
	[tilespmem:$0x1F800] =	vst v63  }
0x24: {  	_ =	swait.ge [sflag:s20], $0x3200  }
0x25: {  	[sflag:s20] =	ssyncset.done $0x0  }
0x26: {  	s11 =	rddreg [dreg:$0x6];
	[sflag:s20] =	ssyncadd.s32 $0xFFFFCE00  }
0x27: {  	[spmem:s11] =	stream.linear.scatter [tilespmem:s19], [sflag:$0x4], $0x3200, $0x38;
	[tilespmem:$0x1F800] =	vst v63  }
0x28: {  	_ =	swait.ge [sflag:s20], $0x3200  }
0x29: {  	[sflag:s20] =	ssyncset.done $0x0  }
0x2a: {  	s12 =	rddreg [dreg:$0x7];
	[sflag:s20] =	ssyncadd.s32 $0xFFFFCE00  }
0x2b: {  	[spmem:s12] =	stream.linear.scatter [tilespmem:s19], [sflag:$0x4], $0x3200, $0x38;
	[tilespmem:$0x1F800] =	vst v63  }
0x2c: {  	_ =	swait.ge [sflag:s20], $0x3200  }
0x2d: {  	[sflag:s20] =	ssyncset.done $0x0  }
0x2e: {  	s26 =	rddreg [dreg:$0x8];
	[sflag:s20] =	ssyncadd.s32 $0xFFFFCE00  }
0x2f: {  	[spmem:s26] =	stream.linear.scatter [tilespmem:s19], [sflag:$0x4], $0x3200, $0x38;
	[tilespmem:$0x1F800] =	vst v63  }
0x30: {  	_ =	swait.ge [sflag:s20], $0x3200  }
0x31: {  	[sflag:s20] =	ssyncset.done $0x0  }
0x32: {  	s31 =	rddreg [dreg:$0x9];
	[sflag:s20] =	ssyncadd.s32 $0xFFFFCE00  }
0x33: {  	[spmem:s31] =	stream.linear.scatter [tilespmem:s19], [sflag:$0x4], $0x3200, $0x38;
	[tilespmem:$0x1F800] =	vst v63  }
0x34: {  	_ =	swait.ge [sflag:s20], $0x3200  }
0x35: {  	[sflag:s20] =	ssyncset.done $0x0  }
0x36: {  	[sflag:s20] =	ssyncadd.s32 $0xFFFFCE00  }
0x37: {  	[spmem:s13] =	stream.linear.scatter [tilespmem:s19], [sflag:$0x4], $0x3200, $0x38;
	[tilespmem:$0x1F800] =	vst v63  }
0x38: {  	_ =	swait.ge [sflag:s20], $0x3200  }
0x39: {  	[sflag:s20] =	ssyncset.done $0x0  }
0x3a: {  	[sflag:s20] =	ssyncadd.s32 $0xFFFFCE00  }
0x3b: {  	[spmem:s15] =	stream.linear.scatter [tilespmem:s19], [sflag:$0x4], $0x1000, $0x38;
	[tilespmem:$0x1F800] =	vst v63  }
0x3c: {  	_ =	swait.ge [sflag:s20], $0x1000  }
0x3d: {  	[sflag:s20] =	ssyncset.done $0x0  }
0x3e: {  	[sflag:s20] =	ssyncadd.s32 $0xFFFFF000  }
0x3f: {  	[bflag:$0x0] =	sbarrier.arrive $0xFFFF  }
0x40: {  	[tilespmem:s5], [sflag:$0x4] =	stream.linear.gather [hbm4b:s14+s5], $0x500, $0x38;
	[tilespmem:$0x1F800] =	vst v63  }
0x41: {  	_ =	swait.ge [sflag:s20], $0x500  }
0x42: {  	[sflag:s20] =	ssyncset.done $0x0  }
0x43: {  	s26 =	simm.s32 $0x1000;
	[sflag:s20] =	ssyncadd.s32 $0xFFFFFB00  }
0x44: {  	[tilespmem:s26], [sflag:$0x4] =	stream.linear.gather [hbm4b:s16+s5], $0x500, $0x38;
	[tilespmem:$0x1F800] =	vst v63  }
.Ltmp2:
0x45: {  	_ = 	snop;
	(pc) =	sbr.rel .LBB2_2-.Ltmp2, $4  }
0x46: {  	_ =	swait.ge [sflag:s20], $0x500  }
0x47: {  	s28 =	simm.s32 $0x80;
	[sflag:s20] =	ssyncset.done $0x0  }
0x48: {  	s29 =	simm.s32 $0x1;
	s30 =	simm.s32 $0x0;
	[sflag:s20] =	ssyncadd.s32 $0xFFFFFB00  }
0x49: {  	[tilespmem:s19], [sflag:$0x1] =	stream.indirect.gather [hbm4b:s1+s21], $0x80, s5, s21, $0xb8;
	[tilespmem:$0x1F800] =	vst v63  }
.LBB2_3:
0x4a: {  	_ =	swait.ge [sflag:s22], $0x500  }
0x4b: {  	[sflag:s22] =	ssyncset.done $0x0  }
0x4c: {  	[sflag:s22] =	ssyncadd.s32 $0xFFFFFB00  }
0x4d: {  	_ =	swait.ge [sflag:s22], $0x500  }
0x4e: {  	[sflag:s22] =	ssyncset.done $0x0  }
0x4f: {  	[sflag:s22] =	ssyncadd.s32 $0xFFFFFB00  }
.LBB2_5:
0x50: {  	s11 =	sadd.s32 $0xAB, s10  }
0x51: {  	s11 =	sshrl.u32 s11, $0x9  }
0x52: {  	s11 =	sand.u32 $0x7F, s11  }
0x53: {  	s11 =	smul.u32 $0x3, s11;
	_ =	sdelay $0x1  }
0x54: {  	s11 =	ssub.s32 s2, s11  }
0x55: {  	s4 =	sshll.u32 s4, $0xA;
	s9 =	smul.u32 $0x1400, s9;
	s11 =	sand.u32 $0xFF, s11  }
0x56: {  	s4 =	sand.u32 $0x2000, s4;
	s11 =	smul.u32 $0xD000, s11  }
0x57: {  	s4 =	ssub.s32 s4, s9  }
0x58: {  	s4 =	sshra.s32 s4, $0x2;
	s12 =	sshrl.u32 s11, $0x2  }
0x59: {  	s4 =	sadd.s32 s4, s28;
	s9 =	sadd.s32 $0x2000, s12  }
0x5a: {  	[tilespmem:s9], [sflag:$0x1] =	stream.indirect.gather [hbm4b:s1+s21], $0x80, s4, s21, $0xb8;
	[tilespmem:$0x1F800] =	vst v63  }
.LBB2_6:
0x5b: {  	s4 =	sshrl.u32 s10, $0x9  }
0x5c: {  	s4 =	sand.u32 $0x7F, s4  }
0x5d: {  	s4 =	smul.u32 $0x3, s4;
	_ =	sdelay $0x1  }
0x5e: {  	s9 =	sshll.u32 s31, $0xA;
	s4 =	ssub.s32 s30, s4  }
0x5f: {  	s0 =	smul.u32 $0x1400, s0;
	_ =	swait.ge [sflag:s23], $0x3200;
	s4 =	sand.u32 $0xFF, s4  }
0x60: {  	p0 =	sne.s32 s2, $0x64;
	s9 =	sand.u32 $0x2000, s9;
	s4 =	smul.u32 $0xD000, s4  }
.Ltmp3:
0x61: {  	s28 =	sadd.s32 $0x80, s28;
	s0 =	ssub.s32 s9, s0;
	(pc) =	sbr.rel @!p0 .LBB2_7-.Ltmp3, $4  }
0x62: {  	s29 =	sadd.s32 $0x1, s29;
	[sflag:s23] =	ssyncset.done $0x0;
	s0 =	sshra.s32 s0, $0x2  }
0x63: {  	[sflag:s23] =	ssyncadd.s32 $0xFFFFCE00;
	s0 =	sadd.s32 s0, s26;
	s4 =	sshrl.u32 s4, $0x2  }
0x64: {  	s26 =	sadd.s32 $0x80, s26;
	s30 =	smov.u32 s2;
	s4 =	sadd.s32 $0x2000, s4  }
0x65: {  	[spmem:s3] =	stream.indirect.scatter.add.f32 [tilespmem:s4], [sflag:$0x2], $0x80, s0, s21, $0xb8;
	[tilespmem:$0x1F800] =	vst v63  }
.LBB2_2:
0x66: {  	s31 =	smulhi.u32 $0xCCCCCCCD, s30;
	_ =	sdelay $0x1  }
0x67: {  	s0 =	sshrl.u32 s31, $0x3  }
0x68: {  	s2 =	smul.u32 $0xA, s0  }
0x69: {  	s4 =	smul.u32 $0xCD, s30  }
0x6a: {  	p0 =	sgt.u32 s30, $0x59;
	s2 =	sadd.s32 $0x2, s2  }
0x6b: {  	s4 =	sshrl.u32 s4, $0xB;
	p1 =	sne.s32 @!p0 s2, s30  }
0x6c: {  	s2 =	sand.u32 $0x1F, s4;
	p0 =	por p1, p0  }
0x6d: {  	s2 =	sshll.u32 @!p0 s2, $0xB  }
0x6e: {  	s4 =	smulhi.u32 $0xCCCCCCCD, s29;
	s2 =	sadd.s32 @!p0 $0x800, s2  }
0x6f: {  	s10 =	sadd.s32 @!p0 s7, s2  }
0x70: {  	s9 =	sshrl.u32 s4, $0x3;
	s10 =	sshrl.u32 @!p0 s10, $0x3  }
0x71: {  	s11 =	simm.s32 @!p0 $0x0;
	s2 =	sand.u32 @!p0 $0x800, s2;
	s10 =	sadd.s32 @!p0 s6, s10  }
0x72: {  	[tilespmem:s2], [sflag:$0x3] =	stream.linear.gather @!p0 [hbm4b:s10+s11], $0x500, $0x38;
	[tilespmem:$0x1F800] =	vst v63  }
0x73: {  	s12 =	smul.u32 $0xA, s9;
	s2 =	sor.u32 @!p0 $0x1000, s2;
	s10 =	sadd.s32 @!p0 $0x14000, s10  }
0x74: {  	[tilespmem:s2], [sflag:$0x3] =	stream.linear.gather @!p0 [hbm4b:s10+s11], $0x500, $0x38;
	[tilespmem:$0x1F800] =	vst v63  }
0x75: {  	s2 =	sadd.s32 $0xFFFFFFFF, s12;
	p0 =	seq.s32 s30, $0x63  }
0x76: {  	p2 =	sne.s32 @!p0 s2, s30  }
0x77: {  	p2 =	por p0, p2  }
.Ltmp4:
0x78: {  	p1 =	slt.u32 s30, $0x2;
	(pc) =	sbr.rel @!p2 .LBB2_3-.Ltmp4, $4  }
0x79: {  	s10 =	simm.s32 @!p1 $0x2  }
0x7a: {  	_ =	swait.ge @!p1 [sflag:s10], $0x3200  }
0x7b: {  	[sflag:s10] =	ssyncset.done @!p1 $0x0  }
0x7c: {  	s2 =	sadd.s32 $0x1, s30;
	[sflag:s10] =	ssyncadd.s32 @!p1 $0xFFFFCE00;
	s10 =	smul.u32 $0xAB, s30  }
.Ltmp5:
0x7d: {  	(pc) =	sbr.rel @p0 .LBB2_6-.Ltmp5, $4  }
.Ltmp6:
0x7e: {  	(pc) =	sbr.rel @!p0 .LBB2_5-.Ltmp6, $4  }
0x7f: {  	_ = 	snop  }
0x80: {  	_ = 	snop  }
0x81: {  	_ = 	snop  }
0x82: {  	_ = 	snop  }
.LBB2_8:
0x83: {  	_ =	sfence.sel $0x180000  }
0x84: {  	[bflag:$0x0] =	sbarrier.arrive $0xFFFF  }
0x85: {  	_ =	strace $0x90000047  }
0x86: {  	s0 =	stileid.u32;
	[bflag:$0x2] =	sbarrier.arrive $0xFFFF  }
0x87: {  	p0 =	sne.s32 s0, $0x0;
	s0 =	rddreg [dreg:$0x5]  }
0x88: {  	s0 =	sadd.s32 @!p0 $0x100000, s0  }
0x89: {  	[sflag:s0] =	ssyncadd.tile.s32 @!p0 $0x1;
	_ =	shalt  }
.Lfunc_end2:
_tile_overlayer_lowered:
.L_overlay_start_2:
0x8a: {  	(tag) =	ssettag $0x2  }
0x8b: {  	s0 =	rddreg [dreg:$0x0];
	s2 =	stileid.u32  }
0x8c: {  	s1 =	rddreg [dreg:$0x1];
	p0 =	sne.s32 s2, $0x0  }
0x8d: {  	s3 =	rddreg [dreg:$0x2];
	[bflag:$0x3] =	sbarrier.arrive $0xFFFF;
	s2 =	simm.s32 @!p0 $0x1C04  }
0x8e: {  	[timem:s3], [sflag:s2] =	dma.local @!p0 [hbm:s0], s1  }
0x8f: {  	s0 =	simm.s32 @!p0 $0x4  }
0x90: {  	_ =	swait.ge @!p0 [sflag:s0], s1  }
0x91: {  	s1 =	ssub.s32 @!p0 $0x0, s1;
	[sflag:s0] =	ssyncset.done @!p0 $0x0  }
0x92: {  	[sflag:s0] =	ssyncadd.s32 @!p0 s1  }
0x93: {  	[bflag:$0x3] =	sbarrier.arrive $0xFFFF  }
0x94: {  	_ =	shalt  }

</sc_bundles>
